<compile_context>
chip_gen: v7x
topology: tpu7x:2x2x1
jax: 0.10.2.dev20260603
libtpu: 0.0.44.dev20260713+nightly
codegen_flags: <defaults>
</compile_context>

<pallas_src>
import functools

import jax
import jax.numpy as jnp
from jax import lax
from jax.experimental import pallas as pl
from jax.experimental.pallas import tpu as pltpu
from jax.experimental.pallas import tpu_sc as plsc

_N = 10000
_E = 160000
_D = 256
_H = 256
_EPS = 1e-5

_RB = 400
_NRB = _N // _RB

_NSUB = 16
_B = 128
_NBUF = 3
_NB = 81
_CH = _NB * _B
_EPAD = _NSUB * _CH
_BH = _B // 2
_RPT = 640
_ACC_ROWS = 10016
_ZTAIL = _ACC_ROWS - 15 * _RPT



def _mm_stats_body(x_ref, w_ref, h1_ref, stats_ref, acc_ref):
    i = pl.program_id(0)
    h1 = jnp.dot(x_ref[...], w_ref[...], preferred_element_type=jnp.float32)
    h1_ref[...] = h1
    s = jnp.sum(h1, axis=0, keepdims=True)
    s2 = jnp.sum(h1 * h1, axis=0, keepdims=True)
    ss = jnp.concatenate([s, s2], axis=0)

    @pl.when(i == 0)
    def _():
        acc_ref[...] = jnp.zeros_like(acc_ref)

    acc_ref[...] += ss

    @pl.when(i == pl.num_programs(0) - 1)
    def _():
        stats_ref[...] = acc_ref[...]


_mm_stats = pl.pallas_call(
    _mm_stats_body,
    grid=(_NRB,),
    in_specs=[
        pl.BlockSpec((_RB, _D), lambda i: (i, 0)),
        pl.BlockSpec((_D, _H), lambda i: (0, 0)),
    ],
    out_specs=[
        pl.BlockSpec((_RB, _H), lambda i: (i, 0)),
        pl.BlockSpec((2, _H), lambda i: (0, 0)),
    ],
    out_shape=[
        jax.ShapeDtypeStruct((_N, _H), jnp.float32),
        jax.ShapeDtypeStruct((2, _H), jnp.float32),
    ],
    scratch_shapes=[pltpu.VMEM((2, _H), jnp.float32)],
)


def _mm2_body(h1_ref, ab_ref, w_ref, z_ref):
    h1s = h1_ref[...] * ab_ref[0:1, :] + ab_ref[1:2, :]
    z = jnp.dot(h1s, w_ref[...], preferred_element_type=jnp.float32)
    z_ref[0] = z[:, 0:128]
    z_ref[1] = z[:, 128:256]


_mm2 = pl.pallas_call(
    _mm2_body,
    grid=(_NRB,),
    in_specs=[
        pl.BlockSpec((_RB, _H), lambda i: (i, 0)),
        pl.BlockSpec((2, _H), lambda i: (0, 0)),
        pl.BlockSpec((_H, _D), lambda i: (0, 0)),
    ],
    out_specs=pl.BlockSpec((2, _RB, 128), lambda i: (0, i, 0)),
    out_shape=jax.ShapeDtypeStruct((2, _N, 128), jnp.float32),
)


def _stats2_body(h_ref, stats_ref, acc_ref):
    i = pl.program_id(0)
    hb = h_ref[...]
    s = jnp.sum(hb, axis=1)
    s2 = jnp.sum(hb * hb, axis=1)
    ss = jnp.stack([s, s2], axis=0)

    @pl.when(i == 0)
    def _():
        acc_ref[...] = jnp.zeros_like(acc_ref)

    acc_ref[...] += ss

    @pl.when(i == pl.num_programs(0) - 1)
    def _():
        stats_ref[...] = acc_ref[...]


_stats2 = pl.pallas_call(
    _stats2_body,
    grid=(_NRB,),
    in_specs=[pl.BlockSpec((2, _RB, 128), lambda i: (0, i, 0))],
    out_specs=pl.BlockSpec((2, 2, 128), lambda i: (0, 0, 0)),
    out_shape=jax.ShapeDtypeStruct((2, 2, 128), jnp.float32),
    scratch_shapes=[pltpu.VMEM((2, 2, 128), jnp.float32)],
)


def _bn2_body(h_ref, ab_ref, out_ref):
    hb = h_ref[...]
    a = ab_ref[0]
    b = ab_ref[1]
    y = hb * a[:, None, :] + b[:, None, :]
    out_ref[:, 0:128] = y[0]
    out_ref[:, 128:256] = y[1]


_bn2 = pl.pallas_call(
    _bn2_body,
    grid=(_NRB,),
    in_specs=[
        pl.BlockSpec((2, _RB, 128), lambda i: (0, i, 0)),
        pl.BlockSpec((2, 2, 128), lambda i: (0, 0, 0)),
    ],
    out_specs=pl.BlockSpec((_RB, _D), lambda i: (i, 0)),
    out_shape=jax.ShapeDtypeStruct((_N, _D), jnp.float32),
)



def _seg_body(zf_h, src0_h, src1_h, dst_h, zrows_h, out_h,
              sring, dring, *scr):
    c = lax.axis_index("c")
    s = lax.axis_index("s")
    r0 = s * _RPT
    rows = scr[:_NBUF]
    acc_s = scr[_NBUF]
    sems = scr[_NBUF + 1:]
    gsemA = sems[0:_NBUF]
    gsemB = sems[_NBUF:2 * _NBUF]
    ssem = sems[2 * _NBUF:3 * _NBUF]
    dsem = sems[3 * _NBUF:4 * _NBUF]
    isem = sems[4 * _NBUF:5 * _NBUF]
    base = s * _CH

    @pl.when(s < _NSUB - 1)
    def _():
        pltpu.sync_copy(zrows_h, acc_s.at[pl.ds(r0, _RPT)])

    @pl.when(s == _NSUB - 1)
    def _():
        pltpu.sync_copy(zrows_h.at[pl.ds(0, _ZTAIL)],
                        acc_s.at[pl.ds(r0, _ZTAIL)])

    def _sidx_start(j, b):
        off = base + j * _B

        @pl.when(c == 0)
        def _():
            pltpu.make_async_copy(src0_h.at[pl.ds(off, _B)], sring.at[b],
                                  isem[b]).start()

        @pl.when(c == 1)
        def _():
            pltpu.make_async_copy(src1_h.at[pl.ds(off, _B)], sring.at[b],
                                  isem[b]).start()

    def _sidx_wait(b):
        pltpu.make_async_copy(src0_h.at[pl.ds(base, _B)], sring.at[b],
                              isem[b]).wait()

    def _didx(j, b):
        return pltpu.make_async_copy(
            dst_h.at[s, pl.ds(j, 1)], dring.at[pl.ds(b, 1)], dsem[b])

    def _gather_half(b, h, sem):
        return pltpu.make_async_copy(
            zf_h.at[sring.at[b, pl.ds(h * _BH, _BH)]],
            rows[b].at[pl.ds(h * _BH, _BH)], sem)

    def _gather_start(b):
        _gather_half(b, 0, gsemA[b]).start()
        _gather_half(b, 1, gsemB[b]).start()

    def _gather_wait(b):
        _gather_half(b, 0, gsemA[b]).wait()
        _gather_half(b, 1, gsemB[b]).wait()

    def _scatter(b):
        return pltpu.make_async_copy(rows[b], acc_s.at[dring.at[b]], ssem[b])

    for b in range(_NBUF):
        _sidx_start(b, b)
        _didx(b, b).start()
    for b in range(_NBUF - 1):
        _sidx_wait(b)
        _gather_start(b)
    plsc.subcore_barrier()

    def body(g, carry):
        j0 = g * _NBUF
        for b in range(_NBUF):
            j = j0 + b
            bn = (b + _NBUF - 1) % _NBUF
            _gather_wait(b)

            @pl.when(j + _NBUF < _NB)
            def _():
                _sidx_start(j + _NBUF, b)

            _didx(j, b).wait()
            _scatter(b).start(add=True)
            jn = j + _NBUF - 1

            @pl.when((jn < _NB) & (j >= 1))
            def _():
                _scatter(bn).wait()

            @pl.when((jn < _NB) & (jn >= _NBUF))
            def _():
                _didx(jn, bn).start()

            @pl.when(jn < _NB)
            def _():
                _sidx_wait(bn)
                _gather_start(bn)

        return carry

    lax.fori_loop(0, _NB // _NBUF, body, 0)
    for b in range(_NBUF):
        _scatter(b).wait()
    plsc.subcore_barrier()

    out_base = c * _N + r0

    @pl.when(s < _NSUB - 1)
    def _():
        pltpu.sync_copy(acc_s.at[pl.ds(r0, _RPT)], out_h.at[pl.ds(out_base, _RPT)])

    @pl.when(s == _NSUB - 1)
    def _():
        pltpu.sync_copy(acc_s.at[pl.ds(r0, _N - (_NSUB - 1) * _RPT)],
                        out_h.at[pl.ds(out_base, _N - (_NSUB - 1) * _RPT)])


_seg_sum = functools.partial(
    pl.kernel,
    mesh=plsc.VectorSubcoreMesh(core_axis_name="c", subcore_axis_name="s"),
    out_type=jax.ShapeDtypeStruct((2 * _N, 128), jnp.float32),
    scratch_types=(
        [pltpu.VMEM((_NBUF, _B), jnp.int32), pltpu.VMEM((_NBUF, _B), jnp.int32)]
        + [pltpu.VMEM((_B, 128), jnp.float32) for _ in range(_NBUF)]
        + [pltpu.VMEM_SHARED((_ACC_ROWS, 128), jnp.float32)]
        + [pltpu.SemaphoreType.DMA for _ in range(5 * _NBUF)]
    ),
)(_seg_body)



def kernel(x, edge_index, W1, bn1_gamma, bn1_beta, W2, bn2_gamma, bn2_beta):
    h1, st1 = _mm_stats(x, W1)
    mean1 = st1[0] / _N
    var1 = st1[1] / _N - mean1 * mean1
    a1 = bn1_gamma / jnp.sqrt(var1 + _EPS)
    b1 = bn1_beta - mean1 * a1
    ab1 = jnp.stack([a1, b1])

    z = _mm2(h1, ab1, W2)

    src = edge_index[0]
    dst = edge_index[1]
    pad = _EPAD - _E
    pad_src = jnp.arange(pad, dtype=jnp.int32) % _N
    pad_dst = _N + (jnp.arange(pad, dtype=jnp.int32) % (_ACC_ROWS - _N))
    src_p = jnp.concatenate([src, pad_src])
    dst_p = jnp.concatenate([dst, pad_dst]).reshape(_NSUB, _NB, _B)
    zf = z.reshape(2 * _N, 128)
    zrows = jnp.zeros((_RPT, 128), jnp.float32)

    hf = _seg_sum(zf, src_p, src_p + _N, dst_p, zrows)
    h2 = hf.reshape(2, _N, 128)

    st2 = _stats2(h2)
    mean2 = st2[0] / _N
    var2 = st2[1] / _N - mean2 * mean2
    a2 = bn2_gamma.reshape(2, 128) / jnp.sqrt(var2 + _EPS)
    b2 = bn2_beta.reshape(2, 128) - mean2 * a2
    ab2 = jnp.stack([a2, b2])

    return _bn2(h2, ab2)

# --- scband reference (transcript-rebuilt; emitter-appended) ---
"""Pipeline reference for scband-gatsingle-head-layer-isotropic-11914239279936 (READ-ONLY COPY).

The authoritative reference and input builder live on the scoring server;
editing this copy changes nothing except your own understanding.
"""

import jax, jax.numpy as jnp
import numpy as np

N = 10000
E = 160000
D = 256
H = 256
EPS = 1e-5

def batchnorm(h, gamma, beta):
    mean = jnp.mean(h, axis=0, keepdims=True)
    var = jnp.var(h, axis=0, keepdims=True)
    return gamma * (h - mean) / jnp.sqrt(var + EPS) + beta

def setup_inputs(seed: int = 0):
    key = jax.random.key(seed)
    k1, k2, k3, k4 = jax.random.split(key, 4)
    x = jax.random.normal(k1, (N, D), dtype=jnp.float32)
    edge_index = jax.random.randint(k2, (2, E), 0, N, dtype=jnp.int32)
    W1 = jax.random.normal(k3, (D, H), dtype=jnp.float32) * (1.0 / np.sqrt(D))
    W2 = jax.random.normal(k4, (H, D), dtype=jnp.float32) * (1.0 / np.sqrt(H))
    bn1_gamma = jnp.ones((H,), dtype=jnp.float32)
    bn1_beta = jnp.zeros((H,), dtype=jnp.float32)
    bn2_gamma = jnp.ones((D,), dtype=jnp.float32)
    bn2_beta = jnp.zeros((D,), dtype=jnp.float32)
    return {"x": x, "edge_index": edge_index, "W1": W1, "bn1_gamma": bn1_gamma, "bn1_beta": bn1_beta, "W2": W2, "bn2_gamma": bn2_gamma, "bn2_beta": bn2_beta}

def reference(x, edge_index, W1, bn1_gamma, bn1_beta, W2, bn2_gamma, bn2_beta):
    # MultiLinearLayer (2 layers, bias=False, batch_norm=True, activation=None):
    h1 = x @ W1
    h1 = batchnorm(h1, bn1_gamma, bn1_beta)
    z = h1 @ W2
    # DGL update_all: copy src feature 'z' along each edge, sum-reduce at dst
    src = edge_index[0]
    dst = edge_index[1]
    msgs = jnp.take(z, src, axis=0)
    h = jax.ops.segment_sum(msgs, dst, num_segments=N)
    # batchnorm_h (training-mode batch statistics), activation=None, dropout=0.0 (identity)
    h = batchnorm(h, bn2_gamma, bn2_beta)
    return h

if __name__ == "__main__":
    import jax
    _d = setup_inputs()
    print(jax.jit(kernel)(*tuple(_d.values())))

</pallas_src>

<mosaic_0001>
#map = affine_map<(d0, d1) -> (0, 0)>
#map1 = affine_map<(d0, d1) -> (0)>
#map2 = affine_map<(d0, d1) -> (0, 0, 0)>
module attributes {stable_mosaic.version = 14 : i64} {
  func.func @_seg_body(%arg0: i32, %arg1: i32, %arg2: memref<20000x128xf32, #tpu.memory_space<hbm>>, %arg3: memref<165888xi32, #tpu.memory_space<hbm>>, %arg4: memref<165888xi32, #tpu.memory_space<hbm>>, %arg5: memref<16x81x128xi32, #tpu.memory_space<hbm>>, %arg6: memref<640x128xf32, #tpu.memory_space<hbm>>, %arg7: memref<20000x128xf32, #tpu.memory_space<hbm>>, %arg8: memref<3x128xi32, #tpu.memory_space<vmem>>, %arg9: memref<3x128xi32, #tpu.memory_space<vmem>>, %arg10: memref<128x128xf32, #tpu.memory_space<vmem>>, %arg11: memref<128x128xf32, #tpu.memory_space<vmem>>, %arg12: memref<128x128xf32, #tpu.memory_space<vmem>>, %arg13: memref<10016x128xf32, #tpu.memory_space<vmem_shared>>, %arg14: memref<!tpu.dma_semaphore, #tpu.memory_space<semaphore_mem>>, %arg15: memref<!tpu.dma_semaphore, #tpu.memory_space<semaphore_mem>>, %arg16: memref<!tpu.dma_semaphore, #tpu.memory_space<semaphore_mem>>, %arg17: memref<!tpu.dma_semaphore, #tpu.memory_space<semaphore_mem>>, %arg18: memref<!tpu.dma_semaphore, #tpu.memory_space<semaphore_mem>>, %arg19: memref<!tpu.dma_semaphore, #tpu.memory_space<semaphore_mem>>, %arg20: memref<!tpu.dma_semaphore, #tpu.memory_space<semaphore_mem>>, %arg21: memref<!tpu.dma_semaphore, #tpu.memory_space<semaphore_mem>>, %arg22: memref<!tpu.dma_semaphore, #tpu.memory_space<semaphore_mem>>, %arg23: memref<!tpu.dma_semaphore, #tpu.memory_space<semaphore_mem>>, %arg24: memref<!tpu.dma_semaphore, #tpu.memory_space<semaphore_mem>>, %arg25: memref<!tpu.dma_semaphore, #tpu.memory_space<semaphore_mem>>, %arg26: memref<!tpu.dma_semaphore, #tpu.memory_space<semaphore_mem>>, %arg27: memref<!tpu.dma_semaphore, #tpu.memory_space<semaphore_mem>>, %arg28: memref<!tpu.dma_semaphore, #tpu.memory_space<semaphore_mem>>) attributes {dimension_semantics = [#tpu.dimension_semantics<core_parallel>, #tpu.dimension_semantics<subcore_parallel>], iteration_bounds = array<i64: 2, 16>, scalar_prefetch = 0 : i64, scratch_operands = 21 : i64, tpu.core_type = #tpu.core_type<sc_vector_subcore>, window_params = [{transform_indices = #map}, {transform_indices = #map1}, {transform_indices = #map1}, {transform_indices = #map2}, {transform_indices = #map}, {transform_indices = #map}]} {
    %mul3A = arith.constant 640 : i32
    %mul3A_0 = arith.muli %arg1, %mul3A : i32
    %mul3A_1 = arith.constant 10368 : i32
    %mul3A_2 = arith.muli %arg1, %mul3A_1 : i32
    %lt3A = arith.constant 15 : i32
    %lt3A_3 = arith.cmpi slt, %arg1, %lt3A : i32
    %convert_element_type3A = arith.extui %lt3A_3 : i1 to i32
    %cond3A = arith.constant 0 : i32
    %cond3A_4 = arith.cmpi ne, %convert_element_type3A, %cond3A : i32
    scf.if %cond3A_4 {
      "tpu.region"() ({
        %run_scoped3A = tpu.sem_alloc : memref<!tpu.dma_semaphore, #tpu.memory_space<semaphore_mem>>
        %dma_start3A_182 = arith.constant 0 : i32
        %dma_start3A_183 = tpu.memref_slice %arg13[%mul3A_0, %dma_start3A_182] : memref<10016x128xf32, #tpu.memory_space<vmem_shared>> -> memref<640x128xf32, #tpu.memory_space<vmem_shared>>
        tpu.enqueue_dma source(%arg6 : memref<640x128xf32, #tpu.memory_space<hbm>>) target(%dma_start3A_183 : memref<640x128xf32, #tpu.memory_space<vmem_shared>>) target_semaphore(%run_scoped3A : memref<!tpu.dma_semaphore, #tpu.memory_space<semaphore_mem>>)
        %dma_wait3A_184 = arith.constant 0 : i32
        %dma_wait3A_185 = tpu.memref_slice %arg13[%mul3A_0, %dma_wait3A_184] : memref<10016x128xf32, #tpu.memory_space<vmem_shared>> -> memref<640x128xf32, #tpu.memory_space<vmem_shared>>
        tpu.wait_dma2 semaphore(%run_scoped3A : memref<!tpu.dma_semaphore, #tpu.memory_space<semaphore_mem>>) src(%arg6 : memref<640x128xf32, #tpu.memory_space<hbm>>) dst(%dma_wait3A_185 : memref<640x128xf32, #tpu.memory_space<vmem_shared>>)
        tpu.yield
      }) : () -> ()
    } else {
    }
    %eq3A = arith.constant 15 : i32
    %eq3A_5 = arith.cmpi eq, %arg1, %eq3A : i32
    %convert_element_type3A_6 = arith.extui %eq3A_5 : i1 to i32
    %cond3A_7 = arith.constant 0 : i32
    %cond3A_8 = arith.cmpi ne, %convert_element_type3A_6, %cond3A_7 : i32
    scf.if %cond3A_8 {
      "tpu.region"() ({
        %run_scoped3A = tpu.sem_alloc : memref<!tpu.dma_semaphore, #tpu.memory_space<semaphore_mem>>
        %dma_start3A_182 = arith.constant 0 : i32
        %dma_start3A_183 = tpu.memref_slice %arg13[%mul3A_0, %dma_start3A_182] : memref<10016x128xf32, #tpu.memory_space<vmem_shared>> -> memref<416x128xf32, #tpu.memory_space<vmem_shared>>
        %dma_start3A_184 = arith.constant 0 : i32
        %dma_start3A_185 = arith.constant 0 : i32
        %dma_start3A_186 = tpu.memref_slice %arg6[%dma_start3A_184, %dma_start3A_185] : memref<640x128xf32, #tpu.memory_space<hbm>> -> memref<416x128xf32, #tpu.memory_space<hbm>>
        tpu.enqueue_dma source(%dma_start3A_186 : memref<416x128xf32, #tpu.memory_space<hbm>>) target(%dma_start3A_183 : memref<416x128xf32, #tpu.memory_space<vmem_shared>>) target_semaphore(%run_scoped3A : memref<!tpu.dma_semaphore, #tpu.memory_space<semaphore_mem>>)
        %dma_wait3A_187 = arith.constant 0 : i32
        %dma_wait3A_188 = tpu.memref_slice %arg13[%mul3A_0, %dma_wait3A_187] : memref<10016x128xf32, #tpu.memory_space<vmem_shared>> -> memref<416x128xf32, #tpu.memory_space<vmem_shared>>
        %dma_wait3A_189 = arith.constant 0 : i32
        %dma_wait3A_190 = arith.constant 0 : i32
        %dma_wait3A_191 = tpu.memref_slice %arg6[%dma_wait3A_189, %dma_wait3A_190] : memref<640x128xf32, #tpu.memory_space<hbm>> -> memref<416x128xf32, #tpu.memory_space<hbm>>
        tpu.wait_dma2 semaphore(%run_scoped3A : memref<!tpu.dma_semaphore, #tpu.memory_space<semaphore_mem>>) src(%dma_wait3A_191 : memref<416x128xf32, #tpu.memory_space<hbm>>) dst(%dma_wait3A_188 : memref<416x128xf32, #tpu.memory_space<vmem_shared>>)
        tpu.yield
      }) : () -> ()
    } else {
    }
    %add3A = arith.constant 0 : i32
    %add3A_9 = arith.addi %mul3A_2, %add3A : i32
    %eq3A_10 = arith.constant 0 : i32
    %eq3A_11 = arith.cmpi eq, %arg0, %eq3A_10 : i32
    %convert_element_type3A_12 = arith.extui %eq3A_11 : i1 to i32
    %cond3A_13 = arith.constant 0 : i32
    %cond3A_14 = arith.cmpi ne, %convert_element_type3A_12, %cond3A_13 : i32
    scf.if %cond3A_14 {
      %dma_start3A_182 = arith.constant 0 : i32
      %dma_start3A_183 = arith.constant 0 : i32
      %dma_start3A_184 = tpu.memref_slice %arg8[%dma_start3A_182, %dma_start3A_183] : memref<3x128xi32, #tpu.memory_space<vmem>> -> memref<1x128xi32, #tpu.memory_space<vmem>>
      %dma_start3A_185 = tpu.memref_squeeze %dma_start3A_184 : memref<1x128xi32, #tpu.memory_space<vmem>> -> memref<128xi32, #tpu.memory_space<vmem>>
      %dma_start3A_186 = tpu.memref_slice %arg3[%add3A_9] : memref<165888xi32, #tpu.memory_space<hbm>> -> memref<128xi32, #tpu.memory_space<hbm>>
      %dma_start3A_187 = arith.constant 0 : i32
      %dma_start3A_188 = tpu.memref_slice %arg8[%dma_start3A_182, %dma_start3A_187] : memref<3x128xi32, #tpu.memory_space<vmem>> -> memref<1x128xi32, #tpu.memory_space<vmem>>
      %dma_start3A_189 = tpu.memref_squeeze %dma_start3A_188 : memref<1x128xi32, #tpu.memory_space<vmem>> -> memref<128xi32, #tpu.memory_space<vmem>>
      %dma_start3A_190 = tpu.memref_slice %arg3[%add3A_9] : memref<165888xi32, #tpu.memory_space<hbm>> -> memref<128xi32, #tpu.memory_space<hbm>>
      tpu.enqueue_dma source(%dma_start3A_190 : memref<128xi32, #tpu.memory_space<hbm>>) target(%dma_start3A_189 : memref<128xi32, #tpu.memory_space<vmem>>) target_semaphore(%arg26 : memref<!tpu.dma_semaphore, #tpu.memory_space<semaphore_mem>>)
    } else {
    }
    %eq3A_15 = arith.constant 1 : i32
    %eq3A_16 = arith.cmpi eq, %arg0, %eq3A_15 : i32
    %convert_element_type3A_17 = arith.extui %eq3A_16 : i1 to i32
    %cond3A_18 = arith.constant 0 : i32
    %cond3A_19 = arith.cmpi ne, %convert_element_type3A_17, %cond3A_18 : i32
    scf.if %cond3A_19 {
      %dma_start3A_182 = arith.constant 0 : i32
      %dma_start3A_183 = arith.constant 0 : i32
      %dma_start3A_184 = tpu.memref_slice %arg8[%dma_start3A_182, %dma_start3A_183] : memref<3x128xi32, #tpu.memory_space<vmem>> -> memref<1x128xi32, #tpu.memory_space<vmem>>
      %dma_start3A_185 = tpu.memref_squeeze %dma_start3A_184 : memref<1x128xi32, #tpu.memory_space<vmem>> -> memref<128xi32, #tpu.memory_space<vmem>>
      %dma_start3A_186 = tpu.memref_slice %arg4[%add3A_9] : memref<165888xi32, #tpu.memory_space<hbm>> -> memref<128xi32, #tpu.memory_space<hbm>>
      %dma_start3A_187 = arith.constant 0 : i32
      %dma_start3A_188 = tpu.memref_slice %arg8[%dma_start3A_182, %dma_start3A_187] : memref<3x128xi32, #tpu.memory_space<vmem>> -> memref<1x128xi32, #tpu.memory_space<vmem>>
      %dma_start3A_189 = tpu.memref_squeeze %dma_start3A_188 : memref<1x128xi32, #tpu.memory_space<vmem>> -> memref<128xi32, #tpu.memory_space<vmem>>
      %dma_start3A_190 = tpu.memref_slice %arg4[%add3A_9] : memref<165888xi32, #tpu.memory_space<hbm>> -> memref<128xi32, #tpu.memory_space<hbm>>
      tpu.enqueue_dma source(%dma_start3A_190 : memref<128xi32, #tpu.memory_space<hbm>>) target(%dma_start3A_189 : memref<128xi32, #tpu.memory_space<vmem>>) target_semaphore(%arg26 : memref<!tpu.dma_semaphore, #tpu.memory_space<semaphore_mem>>)
    } else {
    }
    %dma_start3A = arith.constant 0 : i32
    %dma_start3A_20 = arith.constant 0 : i32
    %dma_start3A_21 = tpu.memref_slice %arg9[%dma_start3A, %dma_start3A_20] : memref<3x128xi32, #tpu.memory_space<vmem>> -> memref<1x128xi32, #tpu.memory_space<vmem>>
    %dma_start3A_22 = arith.constant 0 : i32
    %dma_start3A_23 = arith.constant 0 : i32
    %dma_start3A_24 = tpu.memref_slice %arg5[%arg1, %dma_start3A_22, %dma_start3A_23] : memref<16x81x128xi32, #tpu.memory_space<hbm>> -> memref<1x1x128xi32, #tpu.memory_space<hbm>>
    %dma_start3A_25 = tpu.memref_squeeze %dma_start3A_24 : memref<1x1x128xi32, #tpu.memory_space<hbm>> -> memref<1x128xi32, #tpu.memory_space<hbm>>
    %dma_start3A_26 = arith.constant 0 : i32
    %dma_start3A_27 = arith.constant 0 : i32
    %dma_start3A_28 = tpu.memref_slice %arg9[%dma_start3A_26, %dma_start3A_27] : memref<3x128xi32, #tpu.memory_space<vmem>> -> memref<1x128xi32, #tpu.memory_space<vmem>>
    %dma_start3A_29 = arith.constant 0 : i32
    %dma_start3A_30 = arith.constant 0 : i32
    %dma_start3A_31 = tpu.memref_slice %arg5[%arg1, %dma_start3A_29, %dma_start3A_30] : memref<16x81x128xi32, #tpu.memory_space<hbm>> -> memref<1x1x128xi32, #tpu.memory_space<hbm>>
    %dma_start3A_32 = tpu.memref_squeeze %dma_start3A_31 : memref<1x1x128xi32, #tpu.memory_space<hbm>> -> memref<1x128xi32, #tpu.memory_space<hbm>>
    tpu.enqueue_dma source(%dma_start3A_32 : memref<1x128xi32, #tpu.memory_space<hbm>>) target(%dma_start3A_28 : memref<1x128xi32, #tpu.memory_space<vmem>>) target_semaphore(%arg23 : memref<!tpu.dma_semaphore, #tpu.memory_space<semaphore_mem>>)
    %add3A_33 = arith.constant 128 : i32
    %add3A_34 = arith.addi %mul3A_2, %add3A_33 : i32
    %eq3A_35 = arith.constant 0 : i32
    %eq3A_36 = arith.cmpi eq, %arg0, %eq3A_35 : i32
    %convert_element_type3A_37 = arith.extui %eq3A_36 : i1 to i32
    %cond3A_38 = arith.constant 0 : i32
    %cond3A_39 = arith.cmpi ne, %convert_element_type3A_37, %cond3A_38 : i32
    scf.if %cond3A_39 {
      %dma_start3A_182 = arith.constant 1 : i32
      %dma_start3A_183 = arith.constant 0 : i32
      %dma_start3A_184 = tpu.memref_slice %arg8[%dma_start3A_182, %dma_start3A_183] : memref<3x128xi32, #tpu.memory_space<vmem>> -> memref<1x128xi32, #tpu.memory_space<vmem>>
      %dma_start3A_185 = tpu.memref_squeeze %dma_start3A_184 : memref<1x128xi32, #tpu.memory_space<vmem>> -> memref<128xi32, #tpu.memory_space<vmem>>
      %dma_start3A_186 = tpu.memref_slice %arg3[%add3A_34] : memref<165888xi32, #tpu.memory_space<hbm>> -> memref<128xi32, #tpu.memory_space<hbm>>
      %dma_start3A_187 = arith.constant 0 : i32
      %dma_start3A_188 = tpu.memref_slice %arg8[%dma_start3A_182, %dma_start3A_187] : memref<3x128xi32, #tpu.memory_space<vmem>> -> memref<1x128xi32, #tpu.memory_space<vmem>>
      %dma_start3A_189 = tpu.memref_squeeze %dma_start3A_188 : memref<1x128xi32, #tpu.memory_space<vmem>> -> memref<128xi32, #tpu.memory_space<vmem>>
      %dma_start3A_190 = tpu.memref_slice %arg3[%add3A_34] : memref<165888xi32, #tpu.memory_space<hbm>> -> memref<128xi32, #tpu.memory_space<hbm>>
      tpu.enqueue_dma source(%dma_start3A_190 : memref<128xi32, #tpu.memory_space<hbm>>) target(%dma_start3A_189 : memref<128xi32, #tpu.memory_space<vmem>>) target_semaphore(%arg27 : memref<!tpu.dma_semaphore, #tpu.memory_space<semaphore_mem>>)
    } else {
    }
    %eq3A_40 = arith.constant 1 : i32
    %eq3A_41 = arith.cmpi eq, %arg0, %eq3A_40 : i32
    %convert_element_type3A_42 = arith.extui %eq3A_41 : i1 to i32
    %cond3A_43 = arith.constant 0 : i32
    %cond3A_44 = arith.cmpi ne, %convert_element_type3A_42, %cond3A_43 : i32
    scf.if %cond3A_44 {
      %dma_start3A_182 = arith.constant 1 : i32
      %dma_start3A_183 = arith.constant 0 : i32
      %dma_start3A_184 = tpu.memref_slice %arg8[%dma_start3A_182, %dma_start3A_183] : memref<3x128xi32, #tpu.memory_space<vmem>> -> memref<1x128xi32, #tpu.memory_space<vmem>>
      %dma_start3A_185 = tpu.memref_squeeze %dma_start3A_184 : memref<1x128xi32, #tpu.memory_space<vmem>> -> memref<128xi32, #tpu.memory_space<vmem>>
      %dma_start3A_186 = tpu.memref_slice %arg4[%add3A_34] : memref<165888xi32, #tpu.memory_space<hbm>> -> memref<128xi32, #tpu.memory_space<hbm>>
      %dma_start3A_187 = arith.constant 0 : i32
      %dma_start3A_188 = tpu.memref_slice %arg8[%dma_start3A_182, %dma_start3A_187] : memref<3x128xi32, #tpu.memory_space<vmem>> -> memref<1x128xi32, #tpu.memory_space<vmem>>
      %dma_start3A_189 = tpu.memref_squeeze %dma_start3A_188 : memref<1x128xi32, #tpu.memory_space<vmem>> -> memref<128xi32, #tpu.memory_space<vmem>>
      %dma_start3A_190 = tpu.memref_slice %arg4[%add3A_34] : memref<165888xi32, #tpu.memory_space<hbm>> -> memref<128xi32, #tpu.memory_space<hbm>>
      tpu.enqueue_dma source(%dma_start3A_190 : memref<128xi32, #tpu.memory_space<hbm>>) target(%dma_start3A_189 : memref<128xi32, #tpu.memory_space<vmem>>) target_semaphore(%arg27 : memref<!tpu.dma_semaphore, #tpu.memory_space<semaphore_mem>>)
    } else {
    }
    %dma_start3A_45 = arith.constant 1 : i32
    %dma_start3A_46 = arith.constant 0 : i32
    %dma_start3A_47 = tpu.memref_slice %arg9[%dma_start3A_45, %dma_start3A_46] : memref<3x128xi32, #tpu.memory_space<vmem>> -> memref<1x128xi32, #tpu.memory_space<vmem>>
    %dma_start3A_48 = arith.constant 1 : i32
    %dma_start3A_49 = arith.constant 0 : i32
    %dma_start3A_50 = tpu.memref_slice %arg5[%arg1, %dma_start3A_48, %dma_start3A_49] : memref<16x81x128xi32, #tpu.memory_space<hbm>> -> memref<1x1x128xi32, #tpu.memory_space<hbm>>
    %dma_start3A_51 = tpu.memref_squeeze %dma_start3A_50 : memref<1x1x128xi32, #tpu.memory_space<hbm>> -> memref<1x128xi32, #tpu.memory_space<hbm>>
    %dma_start3A_52 = arith.constant 1 : i32
    %dma_start3A_53 = arith.constant 0 : i32
    %dma_start3A_54 = tpu.memref_slice %arg9[%dma_start3A_52, %dma_start3A_53] : memref<3x128xi32, #tpu.memory_space<vmem>> -> memref<1x128xi32, #tpu.memory_space<vmem>>
    %dma_start3A_55 = arith.constant 1 : i32
    %dma_start3A_56 = arith.constant 0 : i32
    %dma_start3A_57 = tpu.memref_slice %arg5[%arg1, %dma_start3A_55, %dma_start3A_56] : memref<16x81x128xi32, #tpu.memory_space<hbm>> -> memref<1x1x128xi32, #tpu.memory_space<hbm>>
    %dma_start3A_58 = tpu.memref_squeeze %dma_start3A_57 : memref<1x1x128xi32, #tpu.memory_space<hbm>> -> memref<1x128xi32, #tpu.memory_space<hbm>>
    tpu.enqueue_dma source(%dma_start3A_58 : memref<1x128xi32, #tpu.memory_space<hbm>>) target(%dma_start3A_54 : memref<1x128xi32, #tpu.memory_space<vmem>>) target_semaphore(%arg24 : memref<!tpu.dma_semaphore, #tpu.memory_space<semaphore_mem>>)
    %add3A_59 = arith.constant 256 : i32
    %add3A_60 = arith.addi %mul3A_2, %add3A_59 : i32
    %eq3A_61 = arith.constant 0 : i32
    %eq3A_62 = arith.cmpi eq, %arg0, %eq3A_61 : i32
    %convert_element_type3A_63 = arith.extui %eq3A_62 : i1 to i32
    %cond3A_64 = arith.constant 0 : i32
    %cond3A_65 = arith.cmpi ne, %convert_element_type3A_63, %cond3A_64 : i32
    scf.if %cond3A_65 {
      %dma_start3A_182 = arith.constant 2 : i32
      %dma_start3A_183 = arith.constant 0 : i32
      %dma_start3A_184 = tpu.memref_slice %arg8[%dma_start3A_182, %dma_start3A_183] : memref<3x128xi32, #tpu.memory_space<vmem>> -> memref<1x128xi32, #tpu.memory_space<vmem>>
      %dma_start3A_185 = tpu.memref_squeeze %dma_start3A_184 : memref<1x128xi32, #tpu.memory_space<vmem>> -> memref<128xi32, #tpu.memory_space<vmem>>
      %dma_start3A_186 = tpu.memref_slice %arg3[%add3A_60] : memref<165888xi32, #tpu.memory_space<hbm>> -> memref<128xi32, #tpu.memory_space<hbm>>
      %dma_start3A_187 = arith.constant 0 : i32
      %dma_start3A_188 = tpu.memref_slice %arg8[%dma_start3A_182, %dma_start3A_187] : memref<3x128xi32, #tpu.memory_space<vmem>> -> memref<1x128xi32, #tpu.memory_space<vmem>>
      %dma_start3A_189 = tpu.memref_squeeze %dma_start3A_188 : memref<1x128xi32, #tpu.memory_space<vmem>> -> memref<128xi32, #tpu.memory_space<vmem>>
      %dma_start3A_190 = tpu.memref_slice %arg3[%add3A_60] : memref<165888xi32, #tpu.memory_space<hbm>> -> memref<128xi32, #tpu.memory_space<hbm>>
      tpu.enqueue_dma source(%dma_start3A_190 : memref<128xi32, #tpu.memory_space<hbm>>) target(%dma_start3A_189 : memref<128xi32, #tpu.memory_space<vmem>>) target_semaphore(%arg28 : memref<!tpu.dma_semaphore, #tpu.memory_space<semaphore_mem>>)
    } else {
    }
    %eq3A_66 = arith.constant 1 : i32
    %eq3A_67 = arith.cmpi eq, %arg0, %eq3A_66 : i32
    %convert_element_type3A_68 = arith.extui %eq3A_67 : i1 to i32
    %cond3A_69 = arith.constant 0 : i32
    %cond3A_70 = arith.cmpi ne, %convert_element_type3A_68, %cond3A_69 : i32
    scf.if %cond3A_70 {
      %dma_start3A_182 = arith.constant 2 : i32
      %dma_start3A_183 = arith.constant 0 : i32
      %dma_start3A_184 = tpu.memref_slice %arg8[%dma_start3A_182, %dma_start3A_183] : memref<3x128xi32, #tpu.memory_space<vmem>> -> memref<1x128xi32, #tpu.memory_space<vmem>>
      %dma_start3A_185 = tpu.memref_squeeze %dma_start3A_184 : memref<1x128xi32, #tpu.memory_space<vmem>> -> memref<128xi32, #tpu.memory_space<vmem>>
      %dma_start3A_186 = tpu.memref_slice %arg4[%add3A_60] : memref<165888xi32, #tpu.memory_space<hbm>> -> memref<128xi32, #tpu.memory_space<hbm>>
      %dma_start3A_187 = arith.constant 0 : i32
      %dma_start3A_188 = tpu.memref_slice %arg8[%dma_start3A_182, %dma_start3A_187] : memref<3x128xi32, #tpu.memory_space<vmem>> -> memref<1x128xi32, #tpu.memory_space<vmem>>
      %dma_start3A_189 = tpu.memref_squeeze %dma_start3A_188 : memref<1x128xi32, #tpu.memory_space<vmem>> -> memref<128xi32, #tpu.memory_space<vmem>>
      %dma_start3A_190 = tpu.memref_slice %arg4[%add3A_60] : memref<165888xi32, #tpu.memory_space<hbm>> -> memref<128xi32, #tpu.memory_space<hbm>>
      tpu.enqueue_dma source(%dma_start3A_190 : memref<128xi32, #tpu.memory_space<hbm>>) target(%dma_start3A_189 : memref<128xi32, #tpu.memory_space<vmem>>) target_semaphore(%arg28 : memref<!tpu.dma_semaphore, #tpu.memory_space<semaphore_mem>>)
    } else {
    }
    %dma_start3A_71 = arith.constant 2 : i32
    %dma_start3A_72 = arith.constant 0 : i32
    %dma_start3A_73 = tpu.memref_slice %arg9[%dma_start3A_71, %dma_start3A_72] : memref<3x128xi32, #tpu.memory_space<vmem>> -> memref<1x128xi32, #tpu.memory_space<vmem>>
    %dma_start3A_74 = arith.constant 2 : i32
    %dma_start3A_75 = arith.constant 0 : i32
    %dma_start3A_76 = tpu.memref_slice %arg5[%arg1, %dma_start3A_74, %dma_start3A_75] : memref<16x81x128xi32, #tpu.memory_space<hbm>> -> memref<1x1x128xi32, #tpu.memory_space<hbm>>
    %dma_start3A_77 = tpu.memref_squeeze %dma_start3A_76 : memref<1x1x128xi32, #tpu.memory_space<hbm>> -> memref<1x128xi32, #tpu.memory_space<hbm>>
    %dma_start3A_78 = arith.constant 2 : i32
    %dma_start3A_79 = arith.constant 0 : i32
    %dma_start3A_80 = tpu.memref_slice %arg9[%dma_start3A_78, %dma_start3A_79] : memref<3x128xi32, #tpu.memory_space<vmem>> -> memref<1x128xi32, #tpu.memory_space<vmem>>
    %dma_start3A_81 = arith.constant 2 : i32
    %dma_start3A_82 = arith.constant 0 : i32
    %dma_start3A_83 = tpu.memref_slice %arg5[%arg1, %dma_start3A_81, %dma_start3A_82] : memref<16x81x128xi32, #tpu.memory_space<hbm>> -> memref<1x1x128xi32, #tpu.memory_space<hbm>>
    %dma_start3A_84 = tpu.memref_squeeze %dma_start3A_83 : memref<1x1x128xi32, #tpu.memory_space<hbm>> -> memref<1x128xi32, #tpu.memory_space<hbm>>
    tpu.enqueue_dma source(%dma_start3A_84 : memref<1x128xi32, #tpu.memory_space<hbm>>) target(%dma_start3A_80 : memref<1x128xi32, #tpu.memory_space<vmem>>) target_semaphore(%arg25 : memref<!tpu.dma_semaphore, #tpu.memory_space<semaphore_mem>>)
    %dma_wait3A = arith.constant 0 : i32
    %dma_wait3A_85 = arith.constant 0 : i32
    %dma_wait3A_86 = tpu.memref_slice %arg8[%dma_wait3A, %dma_wait3A_85] : memref<3x128xi32, #tpu.memory_space<vmem>> -> memref<1x128xi32, #tpu.memory_space<vmem>>
    %dma_wait3A_87 = tpu.memref_squeeze %dma_wait3A_86 : memref<1x128xi32, #tpu.memory_space<vmem>> -> memref<128xi32, #tpu.memory_space<vmem>>
    %dma_wait3A_88 = tpu.memref_slice %arg3[%mul3A_2] : memref<165888xi32, #tpu.memory_space<hbm>> -> memref<128xi32, #tpu.memory_space<hbm>>
    %dma_wait3A_89 = arith.constant 0 : i32
    %dma_wait3A_90 = tpu.memref_slice %arg8[%dma_wait3A, %dma_wait3A_89] : memref<3x128xi32, #tpu.memory_space<vmem>> -> memref<1x128xi32, #tpu.memory_space<vmem>>
    %dma_wait3A_91 = tpu.memref_squeeze %dma_wait3A_90 : memref<1x128xi32, #tpu.memory_space<vmem>> -> memref<128xi32, #tpu.memory_space<vmem>>
    %dma_wait3A_92 = tpu.memref_slice %arg3[%mul3A_2] : memref<165888xi32, #tpu.memory_space<hbm>> -> memref<128xi32, #tpu.memory_space<hbm>>
    tpu.wait_dma2 semaphore(%arg26 : memref<!tpu.dma_semaphore, #tpu.memory_space<semaphore_mem>>) src(%dma_wait3A_92 : memref<128xi32, #tpu.memory_space<hbm>>) dst(%dma_wait3A_91 : memref<128xi32, #tpu.memory_space<vmem>>)
    %dma_start3A_93 = arith.constant 0 : i32
    %dma_start3A_94 = arith.constant 0 : i32
    %dma_start3A_95 = arith.constant 0 : i32
    %dma_start3A_96 = tpu.memref_slice %arg10[%dma_start3A_94, %dma_start3A_95] : memref<128x128xf32, #tpu.memory_space<vmem>> -> memref<64x128xf32, #tpu.memory_space<vmem>>
    %dma_start3A_97 = arith.constant 0 : i32
    %dma_start3A_98 = tpu.memref_slice %arg8[%dma_start3A_93, %dma_start3A_97] : memref<3x128xi32, #tpu.memory_space<vmem>> -> memref<1x64xi32, #tpu.memory_space<vmem>>
    %dma_start3A_99 = tpu.memref_squeeze %dma_start3A_98 : memref<1x64xi32, #tpu.memory_space<vmem>> -> memref<64xi32, #tpu.memory_space<vmem>>
    %dma_start3A_100 = arith.constant 0 : i32
    %dma_start3A_101 = arith.constant 0 : i32
    %dma_start3A_102 = tpu.memref_slice %arg2[%dma_start3A_100, %dma_start3A_101] : memref<20000x128xf32, #tpu.memory_space<hbm>> -> memref<20000x128xf32, #tpu.memory_space<hbm>>
    tpu.enqueue_indirect_dma source(%dma_start3A_102 : memref<20000x128xf32, #tpu.memory_space<hbm>>) target(%dma_start3A_96 : memref<64x128xf32, #tpu.memory_space<vmem>>) offsets(%dma_start3A_99 : memref<64xi32, #tpu.memory_space<vmem>>) semaphore(%arg14 : memref<!tpu.dma_semaphore, #tpu.memory_space<semaphore_mem>>)
    %dma_start3A_103 = arith.constant 0 : i32
    %dma_start3A_104 = arith.constant 64 : i32
    %dma_start3A_105 = arith.constant 0 : i32
    %dma_start3A_106 = tpu.memref_slice %arg10[%dma_start3A_104, %dma_start3A_105] : memref<128x128xf32, #tpu.memory_space<vmem>> -> memref<64x128xf32, #tpu.memory_space<vmem>>
    %dma_start3A_107 = arith.constant 64 : i32
    %dma_start3A_108 = tpu.memref_slice %arg8[%dma_start3A_103, %dma_start3A_107] : memref<3x128xi32, #tpu.memory_space<vmem>> -> memref<1x64xi32, #tpu.memory_space<vmem>>
    %dma_start3A_109 = tpu.memref_squeeze %dma_start3A_108 : memref<1x64xi32, #tpu.memory_space<vmem>> -> memref<64xi32, #tpu.memory_space<vmem>>
    %dma_start3A_110 = arith.constant 0 : i32
    %dma_start3A_111 = arith.constant 0 : i32
    %dma_start3A_112 = tpu.memref_slice %arg2[%dma_start3A_110, %dma_start3A_111] : memref<20000x128xf32, #tpu.memory_space<hbm>> -> memref<20000x128xf32, #tpu.memory_space<hbm>>
    tpu.enqueue_indirect_dma source(%dma_start3A_112 : memref<20000x128xf32, #tpu.memory_space<hbm>>) target(%dma_start3A_106 : memref<64x128xf32, #tpu.memory_space<vmem>>) offsets(%dma_start3A_109 : memref<64xi32, #tpu.memory_space<vmem>>) semaphore(%arg17 : memref<!tpu.dma_semaphore, #tpu.memory_space<semaphore_mem>>)
    %dma_wait3A_113 = arith.constant 1 : i32
    %dma_wait3A_114 = arith.constant 0 : i32
    %dma_wait3A_115 = tpu.memref_slice %arg8[%dma_wait3A_113, %dma_wait3A_114] : memref<3x128xi32, #tpu.memory_space<vmem>> -> memref<1x128xi32, #tpu.memory_space<vmem>>
    %dma_wait3A_116 = tpu.memref_squeeze %dma_wait3A_115 : memref<1x128xi32, #tpu.memory_space<vmem>> -> memref<128xi32, #tpu.memory_space<vmem>>
    %dma_wait3A_117 = tpu.memref_slice %arg3[%mul3A_2] : memref<165888xi32, #tpu.memory_space<hbm>> -> memref<128xi32, #tpu.memory_space<hbm>>
    %dma_wait3A_118 = arith.constant 0 : i32
    %dma_wait3A_119 = tpu.memref_slice %arg8[%dma_wait3A_113, %dma_wait3A_118] : memref<3x128xi32, #tpu.memory_space<vmem>> -> memref<1x128xi32, #tpu.memory_space<vmem>>
    %dma_wait3A_120 = tpu.memref_squeeze %dma_wait3A_119 : memref<1x128xi32, #tpu.memory_space<vmem>> -> memref<128xi32, #tpu.memory_space<vmem>>
    %dma_wait3A_121 = tpu.memref_slice %arg3[%mul3A_2] : memref<165888xi32, #tpu.memory_space<hbm>> -> memref<128xi32, #tpu.memory_space<hbm>>
    tpu.wait_dma2 semaphore(%arg27 : memref<!tpu.dma_semaphore, #tpu.memory_space<semaphore_mem>>) src(%dma_wait3A_121 : memref<128xi32, #tpu.memory_space<hbm>>) dst(%dma_wait3A_120 : memref<128xi32, #tpu.memory_space<vmem>>)
    %dma_start3A_122 = arith.constant 1 : i32
    %dma_start3A_123 = arith.constant 0 : i32
    %dma_start3A_124 = arith.constant 0 : i32
    %dma_start3A_125 = tpu.memref_slice %arg11[%dma_start3A_123, %dma_start3A_124] : memref<128x128xf32, #tpu.memory_space<vmem>> -> memref<64x128xf32, #tpu.memory_space<vmem>>
    %dma_start3A_126 = arith.constant 0 : i32
    %dma_start3A_127 = tpu.memref_slice %arg8[%dma_start3A_122, %dma_start3A_126] : memref<3x128xi32, #tpu.memory_space<vmem>> -> memref<1x64xi32, #tpu.memory_space<vmem>>
    %dma_start3A_128 = tpu.memref_squeeze %dma_start3A_127 : memref<1x64xi32, #tpu.memory_space<vmem>> -> memref<64xi32, #tpu.memory_space<vmem>>
    %dma_start3A_129 = arith.constant 0 : i32
    %dma_start3A_130 = arith.constant 0 : i32
    %dma_start3A_131 = tpu.memref_slice %arg2[%dma_start3A_129, %dma_start3A_130] : memref<20000x128xf32, #tpu.memory_space<hbm>> -> memref<20000x128xf32, #tpu.memory_space<hbm>>
    tpu.enqueue_indirect_dma source(%dma_start3A_131 : memref<20000x128xf32, #tpu.memory_space<hbm>>) target(%dma_start3A_125 : memref<64x128xf32, #tpu.memory_space<vmem>>) offsets(%dma_start3A_128 : memref<64xi32, #tpu.memory_space<vmem>>) semaphore(%arg15 : memref<!tpu.dma_semaphore, #tpu.memory_space<semaphore_mem>>)
    %dma_start3A_132 = arith.constant 1 : i32
    %dma_start3A_133 = arith.constant 64 : i32
    %dma_start3A_134 = arith.constant 0 : i32
    %dma_start3A_135 = tpu.memref_slice %arg11[%dma_start3A_133, %dma_start3A_134] : memref<128x128xf32, #tpu.memory_space<vmem>> -> memref<64x128xf32, #tpu.memory_space<vmem>>
    %dma_start3A_136 = arith.constant 64 : i32
    %dma_start3A_137 = tpu.memref_slice %arg8[%dma_start3A_132, %dma_start3A_136] : memref<3x128xi32, #tpu.memory_space<vmem>> -> memref<1x64xi32, #tpu.memory_space<vmem>>
    %dma_start3A_138 = tpu.memref_squeeze %dma_start3A_137 : memref<1x64xi32, #tpu.memory_space<vmem>> -> memref<64xi32, #tpu.memory_space<vmem>>
    %dma_start3A_139 = arith.constant 0 : i32
    %dma_start3A_140 = arith.constant 0 : i32
    %dma_start3A_141 = tpu.memref_slice %arg2[%dma_start3A_139, %dma_start3A_140] : memref<20000x128xf32, #tpu.memory_space<hbm>> -> memref<20000x128xf32, #tpu.memory_space<hbm>>
    tpu.enqueue_indirect_dma source(%dma_start3A_141 : memref<20000x128xf32, #tpu.memory_space<hbm>>) target(%dma_start3A_135 : memref<64x128xf32, #tpu.memory_space<vmem>>) offsets(%dma_start3A_138 : memref<64xi32, #tpu.memory_space<vmem>>) semaphore(%arg18 : memref<!tpu.dma_semaphore, #tpu.memory_space<semaphore_mem>>)
    %barrier3A = arith.constant 0 : index
    tpu.barrier barrier_id(%barrier3A)
    %scan3A = arith.constant 0 : i32
    %scan3A_142 = arith.constant 0 : i32
    %scan3A_143 = arith.constant 27 : i32
    %scan3A_144 = arith.addi %scan3A_142, %scan3A_143 : i32
    %scan3A_145 = arith.constant 1 : i32
    scf.for %scan3A_182 = %scan3A_142 to %scan3A_144 step %scan3A_145  : i32 {
      %mul3A_183 = arith.constant 3 : i32
      %mul3A_184 = arith.muli %scan3A_182, %mul3A_183 : i32
      %add3A_185 = arith.constant 0 : i32
      %add3A_186 = arith.addi %mul3A_184, %add3A_185 : i32
      %dma_wait3A_187 = arith.constant 0 : i32
      %dma_wait3A_188 = arith.constant 0 : i32
      %dma_wait3A_189 = arith.constant 0 : i32
      %dma_wait3A_190 = tpu.memref_slice %arg10[%dma_wait3A_188, %dma_wait3A_189] : memref<128x128xf32, #tpu.memory_space<vmem>> -> memref<64x128xf32, #tpu.memory_space<vmem>>
      %dma_wait3A_191 = arith.constant 0 : i32
      %dma_wait3A_192 = tpu.memref_slice %arg8[%dma_wait3A_187, %dma_wait3A_191] : memref<3x128xi32, #tpu.memory_space<vmem>> -> memref<1x64xi32, #tpu.memory_space<vmem>>
      %dma_wait3A_193 = tpu.memref_squeeze %dma_wait3A_192 : memref<1x64xi32, #tpu.memory_space<vmem>> -> memref<64xi32, #tpu.memory_space<vmem>>
      %dma_wait3A_194 = arith.constant 0 : i32
      %dma_wait3A_195 = arith.constant 0 : i32
      %dma_wait3A_196 = tpu.memref_slice %arg2[%dma_wait3A_194, %dma_wait3A_195] : memref<20000x128xf32, #tpu.memory_space<hbm>> -> memref<20000x128xf32, #tpu.memory_space<hbm>>
      tpu.wait_indirect_dma semaphore(%arg14 : memref<!tpu.dma_semaphore, #tpu.memory_space<semaphore_mem>>) src(%dma_wait3A_196 : memref<20000x128xf32, #tpu.memory_space<hbm>>) dst(%dma_wait3A_190 : memref<64x128xf32, #tpu.memory_space<vmem>>)
      %dma_wait3A_197 = arith.constant 0 : i32
      %dma_wait3A_198 = arith.constant 64 : i32
      %dma_wait3A_199 = arith.constant 0 : i32
      %dma_wait3A_200 = tpu.memref_slice %arg10[%dma_wait3A_198, %dma_wait3A_199] : memref<128x128xf32, #tpu.memory_space<vmem>> -> memref<64x128xf32, #tpu.memory_space<vmem>>
      %dma_wait3A_201 = arith.constant 64 : i32
      %dma_wait3A_202 = tpu.memref_slice %arg8[%dma_wait3A_197, %dma_wait3A_201] : memref<3x128xi32, #tpu.memory_space<vmem>> -> memref<1x64xi32, #tpu.memory_space<vmem>>
      %dma_wait3A_203 = tpu.memref_squeeze %dma_wait3A_202 : memref<1x64xi32, #tpu.memory_space<vmem>> -> memref<64xi32, #tpu.memory_space<vmem>>
      %dma_wait3A_204 = arith.constant 0 : i32
      %dma_wait3A_205 = arith.constant 0 : i32
      %dma_wait3A_206 = tpu.memref_slice %arg2[%dma_wait3A_204, %dma_wait3A_205] : memref<20000x128xf32, #tpu.memory_space<hbm>> -> memref<20000x128xf32, #tpu.memory_space<hbm>>
      tpu.wait_indirect_dma semaphore(%arg17 : memref<!tpu.dma_semaphore, #tpu.memory_space<semaphore_mem>>) src(%dma_wait3A_206 : memref<20000x128xf32, #tpu.memory_space<hbm>>) dst(%dma_wait3A_200 : memref<64x128xf32, #tpu.memory_space<vmem>>)
      %add3A_207 = arith.constant 3 : i32
      %add3A_208 = arith.addi %add3A_186, %add3A_207 : i32
      %lt3A_209 = arith.constant 81 : i32
      %lt3A_210 = arith.cmpi slt, %add3A_208, %lt3A_209 : i32
      %convert_element_type3A_211 = arith.extui %lt3A_210 : i1 to i32
      %cond3A_212 = arith.constant 0 : i32
      %cond3A_213 = arith.cmpi ne, %convert_element_type3A_211, %cond3A_212 : i32
      scf.if %cond3A_213 {
        %add3A_401 = arith.constant 3 : i32
        %add3A_402 = arith.addi %add3A_186, %add3A_401 : i32
        %mul3A_403 = arith.constant 128 : i32
        %mul3A_404 = arith.muli %add3A_402, %mul3A_403 : i32
        %add3A_405 = arith.addi %mul3A_2, %mul3A_404 : i32
        %eq3A_406 = arith.constant 0 : i32
        %eq3A_407 = arith.cmpi eq, %arg0, %eq3A_406 : i32
        %convert_element_type3A_408 = arith.extui %eq3A_407 : i1 to i32
        %cond3A_409 = arith.constant 0 : i32
        %cond3A_410 = arith.cmpi ne, %convert_element_type3A_408, %cond3A_409 : i32
        scf.if %cond3A_410 {
          %dma_start3A_416 = arith.constant 0 : i32
          %dma_start3A_417 = arith.constant 0 : i32
          %dma_start3A_418 = tpu.memref_slice %arg8[%dma_start3A_416, %dma_start3A_417] : memref<3x128xi32, #tpu.memory_space<vmem>> -> memref<1x128xi32, #tpu.memory_space<vmem>>
          %dma_start3A_419 = tpu.memref_squeeze %dma_start3A_418 : memref<1x128xi32, #tpu.memory_space<vmem>> -> memref<128xi32, #tpu.memory_space<vmem>>
          %dma_start3A_420 = tpu.memref_slice %arg3[%add3A_405] : memref<165888xi32, #tpu.memory_space<hbm>> -> memref<128xi32, #tpu.memory_space<hbm>>
          %dma_start3A_421 = arith.constant 0 : i32
          %dma_start3A_422 = tpu.memref_slice %arg8[%dma_start3A_416, %dma_start3A_421] : memref<3x128xi32, #tpu.memory_space<vmem>> -> memref<1x128xi32, #tpu.memory_space<vmem>>
          %dma_start3A_423 = tpu.memref_squeeze %dma_start3A_422 : memref<1x128xi32, #tpu.memory_space<vmem>> -> memref<128xi32, #tpu.memory_space<vmem>>
          %dma_start3A_424 = tpu.memref_slice %arg3[%add3A_405] : memref<165888xi32, #tpu.memory_space<hbm>> -> memref<128xi32, #tpu.memory_space<hbm>>
          tpu.enqueue_dma source(%dma_start3A_424 : memref<128xi32, #tpu.memory_space<hbm>>) target(%dma_start3A_423 : memref<128xi32, #tpu.memory_space<vmem>>) target_semaphore(%arg26 : memref<!tpu.dma_semaphore, #tpu.memory_space<semaphore_mem>>)
        } else {
        }
        %eq3A_411 = arith.constant 1 : i32
        %eq3A_412 = arith.cmpi eq, %arg0, %eq3A_411 : i32
        %convert_element_type3A_413 = arith.extui %eq3A_412 : i1 to i32
        %cond3A_414 = arith.constant 0 : i32
        %cond3A_415 = arith.cmpi ne, %convert_element_type3A_413, %cond3A_414 : i32
        scf.if %cond3A_415 {
          %dma_start3A_416 = arith.constant 0 : i32
          %dma_start3A_417 = arith.constant 0 : i32
          %dma_start3A_418 = tpu.memref_slice %arg8[%dma_start3A_416, %dma_start3A_417] : memref<3x128xi32, #tpu.memory_space<vmem>> -> memref<1x128xi32, #tpu.memory_space<vmem>>
          %dma_start3A_419 = tpu.memref_squeeze %dma_start3A_418 : memref<1x128xi32, #tpu.memory_space<vmem>> -> memref<128xi32, #tpu.memory_space<vmem>>
          %dma_start3A_420 = tpu.memref_slice %arg4[%add3A_405] : memref<165888xi32, #tpu.memory_space<hbm>> -> memref<128xi32, #tpu.memory_space<hbm>>
          %dma_start3A_421 = arith.constant 0 : i32
          %dma_start3A_422 = tpu.memref_slice %arg8[%dma_start3A_416, %dma_start3A_421] : memref<3x128xi32, #tpu.memory_space<vmem>> -> memref<1x128xi32, #tpu.memory_space<vmem>>
          %dma_start3A_423 = tpu.memref_squeeze %dma_start3A_422 : memref<1x128xi32, #tpu.memory_space<vmem>> -> memref<128xi32, #tpu.memory_space<vmem>>
          %dma_start3A_424 = tpu.memref_slice %arg4[%add3A_405] : memref<165888xi32, #tpu.memory_space<hbm>> -> memref<128xi32, #tpu.memory_space<hbm>>
          tpu.enqueue_dma source(%dma_start3A_424 : memref<128xi32, #tpu.memory_space<hbm>>) target(%dma_start3A_423 : memref<128xi32, #tpu.memory_space<vmem>>) target_semaphore(%arg26 : memref<!tpu.dma_semaphore, #tpu.memory_space<semaphore_mem>>)
        } else {
        }
      } else {
      }
      %dma_wait3A_214 = arith.constant 0 : i32
      %dma_wait3A_215 = arith.constant 0 : i32
      %dma_wait3A_216 = tpu.memref_slice %arg9[%dma_wait3A_214, %dma_wait3A_215] : memref<3x128xi32, #tpu.memory_space<vmem>> -> memref<1x128xi32, #tpu.memory_space<vmem>>
      %dma_wait3A_217 = arith.constant 0 : i32
      %dma_wait3A_218 = tpu.memref_slice %arg5[%arg1, %add3A_186, %dma_wait3A_217] : memref<16x81x128xi32, #tpu.memory_space<hbm>> -> memref<1x1x128xi32, #tpu.memory_space<hbm>>
      %dma_wait3A_219 = tpu.memref_squeeze %dma_wait3A_218 : memref<1x1x128xi32, #tpu.memory_space<hbm>> -> memref<1x128xi32, #tpu.memory_space<hbm>>
      %dma_wait3A_220 = arith.constant 0 : i32
      %dma_wait3A_221 = arith.constant 0 : i32
      %dma_wait3A_222 = tpu.memref_slice %arg9[%dma_wait3A_220, %dma_wait3A_221] : memref<3x128xi32, #tpu.memory_space<vmem>> -> memref<1x128xi32, #tpu.memory_space<vmem>>
      %dma_wait3A_223 = arith.constant 0 : i32
      %dma_wait3A_224 = tpu.memref_slice %arg5[%arg1, %add3A_186, %dma_wait3A_223] : memref<16x81x128xi32, #tpu.memory_space<hbm>> -> memref<1x1x128xi32, #tpu.memory_space<hbm>>
      %dma_wait3A_225 = tpu.memref_squeeze %dma_wait3A_224 : memref<1x1x128xi32, #tpu.memory_space<hbm>> -> memref<1x128xi32, #tpu.memory_space<hbm>>
      tpu.wait_dma2 semaphore(%arg23 : memref<!tpu.dma_semaphore, #tpu.memory_space<semaphore_mem>>) src(%dma_wait3A_225 : memref<1x128xi32, #tpu.memory_space<hbm>>) dst(%dma_wait3A_222 : memref<1x128xi32, #tpu.memory_space<vmem>>)
      %dma_start3A_226 = arith.constant 0 : i32
      %dma_start3A_227 = arith.constant 0 : i32
      %dma_start3A_228 = tpu.memref_slice %arg9[%dma_start3A_226, %dma_start3A_227] : memref<3x128xi32, #tpu.memory_space<vmem>> -> memref<1x128xi32, #tpu.memory_space<vmem>>
      %dma_start3A_229 = tpu.memref_squeeze %dma_start3A_228 : memref<1x128xi32, #tpu.memory_space<vmem>> -> memref<128xi32, #tpu.memory_space<vmem>>
      %dma_start3A_230 = arith.constant 0 : i32
      %dma_start3A_231 = arith.constant 0 : i32
      %dma_start3A_232 = tpu.memref_slice %arg13[%dma_start3A_230, %dma_start3A_231] : memref<10016x128xf32, #tpu.memory_space<vmem_shared>> -> memref<10016x128xf32, #tpu.memory_space<vmem_shared>>
      tpu.enqueue_indirect_dma source(%arg10 : memref<128x128xf32, #tpu.memory_space<vmem>>) target(%dma_start3A_232 : memref<10016x128xf32, #tpu.memory_space<vmem_shared>>) offsets(%dma_start3A_229 : memref<128xi32, #tpu.memory_space<vmem>>) semaphore(%arg20 : memref<!tpu.dma_semaphore, #tpu.memory_space<semaphore_mem>>) {add = true}
      %add3A_233 = arith.constant 3 : i32
      %add3A_234 = arith.addi %add3A_186, %add3A_233 : i32
      %sub3A = arith.constant 1 : i32
      %sub3A_235 = arith.subi %add3A_234, %sub3A : i32
      %lt3A_236 = arith.constant 81 : i32
      %lt3A_237 = arith.cmpi slt, %sub3A_235, %lt3A_236 : i32
      %ge3A = arith.constant 1 : i32
      %ge3A_238 = arith.cmpi sge, %add3A_186, %ge3A : i32
      %and3A = arith.andi %lt3A_237, %ge3A_238 : i1
      %convert_element_type3A_239 = arith.extui %and3A : i1 to i32
      %cond3A_240 = arith.constant 0 : i32
      %cond3A_241 = arith.cmpi ne, %convert_element_type3A_239, %cond3A_240 : i32
      scf.if %cond3A_241 {
        %dma_wait3A_401 = arith.constant 2 : i32
        %dma_wait3A_402 = arith.constant 0 : i32
        %dma_wait3A_403 = tpu.memref_slice %arg9[%dma_wait3A_401, %dma_wait3A_402] : memref<3x128xi32, #tpu.memory_space<vmem>> -> memref<1x128xi32, #tpu.memory_space<vmem>>
        %dma_wait3A_404 = tpu.memref_squeeze %dma_wait3A_403 : memref<1x128xi32, #tpu.memory_space<vmem>> -> memref<128xi32, #tpu.memory_space<vmem>>
        %dma_wait3A_405 = arith.constant 0 : i32
        %dma_wait3A_406 = arith.constant 0 : i32
        %dma_wait3A_407 = tpu.memref_slice %arg13[%dma_wait3A_405, %dma_wait3A_406] : memref<10016x128xf32, #tpu.memory_space<vmem_shared>> -> memref<10016x128xf32, #tpu.memory_space<vmem_shared>>
        tpu.wait_indirect_dma semaphore(%arg22 : memref<!tpu.dma_semaphore, #tpu.memory_space<semaphore_mem>>) src(%arg12 : memref<128x128xf32, #tpu.memory_space<vmem>>) dst(%dma_wait3A_407 : memref<10016x128xf32, #tpu.memory_space<vmem_shared>>)
      } else {
      }
      %lt3A_242 = arith.constant 81 : i32
      %lt3A_243 = arith.cmpi slt, %sub3A_235, %lt3A_242 : i32
      %ge3A_244 = arith.constant 3 : i32
      %ge3A_245 = arith.cmpi sge, %sub3A_235, %ge3A_244 : i32
      %and3A_246 = arith.andi %lt3A_243, %ge3A_245 : i1
      %convert_element_type3A_247 = arith.extui %and3A_246 : i1 to i32
      %cond3A_248 = arith.constant 0 : i32
      %cond3A_249 = arith.cmpi ne, %convert_element_type3A_247, %cond3A_248 : i32
      scf.if %cond3A_249 {
        %dma_start3A_401 = arith.constant 2 : i32
        %dma_start3A_402 = arith.constant 0 : i32
        %dma_start3A_403 = tpu.memref_slice %arg9[%dma_start3A_401, %dma_start3A_402] : memref<3x128xi32, #tpu.memory_space<vmem>> -> memref<1x128xi32, #tpu.memory_space<vmem>>
        %dma_start3A_404 = arith.constant 0 : i32
        %dma_start3A_405 = tpu.memref_slice %arg5[%arg1, %sub3A_235, %dma_start3A_404] : memref<16x81x128xi32, #tpu.memory_space<hbm>> -> memref<1x1x128xi32, #tpu.memory_space<hbm>>
        %dma_start3A_406 = tpu.memref_squeeze %dma_start3A_405 : memref<1x1x128xi32, #tpu.memory_space<hbm>> -> memref<1x128xi32, #tpu.memory_space<hbm>>
        %dma_start3A_407 = arith.constant 2 : i32
        %dma_start3A_408 = arith.constant 0 : i32
        %dma_start3A_409 = tpu.memref_slice %arg9[%dma_start3A_407, %dma_start3A_408] : memref<3x128xi32, #tpu.memory_space<vmem>> -> memref<1x128xi32, #tpu.memory_space<vmem>>
        %dma_start3A_410 = arith.constant 0 : i32
        %dma_start3A_411 = tpu.memref_slice %arg5[%arg1, %sub3A_235, %dma_start3A_410] : memref<16x81x128xi32, #tpu.memory_space<hbm>> -> memref<1x1x128xi32, #tpu.memory_space<hbm>>
        %dma_start3A_412 = tpu.memref_squeeze %dma_start3A_411 : memref<1x1x128xi32, #tpu.memory_space<hbm>> -> memref<1x128xi32, #tpu.memory_space<hbm>>
        tpu.enqueue_dma source(%dma_start3A_412 : memref<1x128xi32, #tpu.memory_space<hbm>>) target(%dma_start3A_409 : memref<1x128xi32, #tpu.memory_space<vmem>>) target_semaphore(%arg25 : memref<!tpu.dma_semaphore, #tpu.memory_space<semaphore_mem>>)
      } else {
      }
      %lt3A_250 = arith.constant 81 : i32
      %lt3A_251 = arith.cmpi slt, %sub3A_235, %lt3A_250 : i32
      %convert_element_type3A_252 = arith.extui %lt3A_251 : i1 to i32
      %cond3A_253 = arith.constant 0 : i32
      %cond3A_254 = arith.cmpi ne, %convert_element_type3A_252, %cond3A_253 : i32
      scf.if %cond3A_254 {
        %dma_wait3A_401 = arith.constant 2 : i32
        %dma_wait3A_402 = arith.constant 0 : i32
        %dma_wait3A_403 = tpu.memref_slice %arg8[%dma_wait3A_401, %dma_wait3A_402] : memref<3x128xi32, #tpu.memory_space<vmem>> -> memref<1x128xi32, #tpu.memory_space<vmem>>
        %dma_wait3A_404 = tpu.memref_squeeze %dma_wait3A_403 : memref<1x128xi32, #tpu.memory_space<vmem>> -> memref<128xi32, #tpu.memory_space<vmem>>
        %dma_wait3A_405 = tpu.memref_slice %arg3[%mul3A_2] : memref<165888xi32, #tpu.memory_space<hbm>> -> memref<128xi32, #tpu.memory_space<hbm>>
        %dma_wait3A_406 = arith.constant 0 : i32
        %dma_wait3A_407 = tpu.memref_slice %arg8[%dma_wait3A_401, %dma_wait3A_406] : memref<3x128xi32, #tpu.memory_space<vmem>> -> memref<1x128xi32, #tpu.memory_space<vmem>>
        %dma_wait3A_408 = tpu.memref_squeeze %dma_wait3A_407 : memref<1x128xi32, #tpu.memory_space<vmem>> -> memref<128xi32, #tpu.memory_space<vmem>>
        %dma_wait3A_409 = tpu.memref_slice %arg3[%mul3A_2] : memref<165888xi32, #tpu.memory_space<hbm>> -> memref<128xi32, #tpu.memory_space<hbm>>
        tpu.wait_dma2 semaphore(%arg28 : memref<!tpu.dma_semaphore, #tpu.memory_space<semaphore_mem>>) src(%dma_wait3A_409 : memref<128xi32, #tpu.memory_space<hbm>>) dst(%dma_wait3A_408 : memref<128xi32, #tpu.memory_space<vmem>>)
        %dma_start3A_410 = arith.constant 2 : i32
        %dma_start3A_411 = arith.constant 0 : i32
        %dma_start3A_412 = arith.constant 0 : i32
        %dma_start3A_413 = tpu.memref_slice %arg12[%dma_start3A_411, %dma_start3A_412] : memref<128x128xf32, #tpu.memory_space<vmem>> -> memref<64x128xf32, #tpu.memory_space<vmem>>
        %dma_start3A_414 = arith.constant 0 : i32
        %dma_start3A_415 = tpu.memref_slice %arg8[%dma_start3A_410, %dma_start3A_414] : memref<3x128xi32, #tpu.memory_space<vmem>> -> memref<1x64xi32, #tpu.memory_space<vmem>>
        %dma_start3A_416 = tpu.memref_squeeze %dma_start3A_415 : memref<1x64xi32, #tpu.memory_space<vmem>> -> memref<64xi32, #tpu.memory_space<vmem>>
        %dma_start3A_417 = arith.constant 0 : i32
        %dma_start3A_418 = arith.constant 0 : i32
        %dma_start3A_419 = tpu.memref_slice %arg2[%dma_start3A_417, %dma_start3A_418] : memref<20000x128xf32, #tpu.memory_space<hbm>> -> memref<20000x128xf32, #tpu.memory_space<hbm>>
        tpu.enqueue_indirect_dma source(%dma_start3A_419 : memref<20000x128xf32, #tpu.memory_space<hbm>>) target(%dma_start3A_413 : memref<64x128xf32, #tpu.memory_space<vmem>>) offsets(%dma_start3A_416 : memref<64xi32, #tpu.memory_space<vmem>>) semaphore(%arg16 : memref<!tpu.dma_semaphore, #tpu.memory_space<semaphore_mem>>)
        %dma_start3A_420 = arith.constant 2 : i32
        %dma_start3A_421 = arith.constant 64 : i32
        %dma_start3A_422 = arith.constant 0 : i32
        %dma_start3A_423 = tpu.memref_slice %arg12[%dma_start3A_421, %dma_start3A_422] : memref<128x128xf32, #tpu.memory_space<vmem>> -> memref<64x128xf32, #tpu.memory_space<vmem>>
        %dma_start3A_424 = arith.constant 64 : i32
        %dma_start3A_425 = tpu.memref_slice %arg8[%dma_start3A_420, %dma_start3A_424] : memref<3x128xi32, #tpu.memory_space<vmem>> -> memref<1x64xi32, #tpu.memory_space<vmem>>
        %dma_start3A_426 = tpu.memref_squeeze %dma_start3A_425 : memref<1x64xi32, #tpu.memory_space<vmem>> -> memref<64xi32, #tpu.memory_space<vmem>>
        %dma_start3A_427 = arith.constant 0 : i32
        %dma_start3A_428 = arith.constant 0 : i32
        %dma_start3A_429 = tpu.memref_slice %arg2[%dma_start3A_427, %dma_start3A_428] : memref<20000x128xf32, #tpu.memory_space<hbm>> -> memref<20000x128xf32, #tpu.memory_space<hbm>>
        tpu.enqueue_indirect_dma source(%dma_start3A_429 : memref<20000x128xf32, #tpu.memory_space<hbm>>) target(%dma_start3A_423 : memref<64x128xf32, #tpu.memory_space<vmem>>) offsets(%dma_start3A_426 : memref<64xi32, #tpu.memory_space<vmem>>) semaphore(%arg19 : memref<!tpu.dma_semaphore, #tpu.memory_space<semaphore_mem>>)
      } else {
      }
      %add3A_255 = arith.constant 1 : i32
      %add3A_256 = arith.addi %mul3A_184, %add3A_255 : i32
      %dma_wait3A_257 = arith.constant 1 : i32
      %dma_wait3A_258 = arith.constant 0 : i32
      %dma_wait3A_259 = arith.constant 0 : i32
      %dma_wait3A_260 = tpu.memref_slice %arg11[%dma_wait3A_258, %dma_wait3A_259] : memref<128x128xf32, #tpu.memory_space<vmem>> -> memref<64x128xf32, #tpu.memory_space<vmem>>
      %dma_wait3A_261 = arith.constant 0 : i32
      %dma_wait3A_262 = tpu.memref_slice %arg8[%dma_wait3A_257, %dma_wait3A_261] : memref<3x128xi32, #tpu.memory_space<vmem>> -> memref<1x64xi32, #tpu.memory_space<vmem>>
      %dma_wait3A_263 = tpu.memref_squeeze %dma_wait3A_262 : memref<1x64xi32, #tpu.memory_space<vmem>> -> memref<64xi32, #tpu.memory_space<vmem>>
      %dma_wait3A_264 = arith.constant 0 : i32
      %dma_wait3A_265 = arith.constant 0 : i32
      %dma_wait3A_266 = tpu.memref_slice %arg2[%dma_wait3A_264, %dma_wait3A_265] : memref<20000x128xf32, #tpu.memory_space<hbm>> -> memref<20000x128xf32, #tpu.memory_space<hbm>>
      tpu.wait_indirect_dma semaphore(%arg15 : memref<!tpu.dma_semaphore, #tpu.memory_space<semaphore_mem>>) src(%dma_wait3A_266 : memref<20000x128xf32, #tpu.memory_space<hbm>>) dst(%dma_wait3A_260 : memref<64x128xf32, #tpu.memory_space<vmem>>)
      %dma_wait3A_267 = arith.constant 1 : i32
      %dma_wait3A_268 = arith.constant 64 : i32
      %dma_wait3A_269 = arith.constant 0 : i32
      %dma_wait3A_270 = tpu.memref_slice %arg11[%dma_wait3A_268, %dma_wait3A_269] : memref<128x128xf32, #tpu.memory_space<vmem>> -> memref<64x128xf32, #tpu.memory_space<vmem>>
      %dma_wait3A_271 = arith.constant 64 : i32
      %dma_wait3A_272 = tpu.memref_slice %arg8[%dma_wait3A_267, %dma_wait3A_271] : memref<3x128xi32, #tpu.memory_space<vmem>> -> memref<1x64xi32, #tpu.memory_space<vmem>>
      %dma_wait3A_273 = tpu.memref_squeeze %dma_wait3A_272 : memref<1x64xi32, #tpu.memory_space<vmem>> -> memref<64xi32, #tpu.memory_space<vmem>>
      %dma_wait3A_274 = arith.constant 0 : i32
      %dma_wait3A_275 = arith.constant 0 : i32
      %dma_wait3A_276 = tpu.memref_slice %arg2[%dma_wait3A_274, %dma_wait3A_275] : memref<20000x128xf32, #tpu.memory_space<hbm>> -> memref<20000x128xf32, #tpu.memory_space<hbm>>
      tpu.wait_indirect_dma semaphore(%arg18 : memref<!tpu.dma_semaphore, #tpu.memory_space<semaphore_mem>>) src(%dma_wait3A_276 : memref<20000x128xf32, #tpu.memory_space<hbm>>) dst(%dma_wait3A_270 : memref<64x128xf32, #tpu.memory_space<vmem>>)
      %add3A_277 = arith.constant 3 : i32
      %add3A_278 = arith.addi %add3A_256, %add3A_277 : i32
      %lt3A_279 = arith.constant 81 : i32
      %lt3A_280 = arith.cmpi slt, %add3A_278, %lt3A_279 : i32
      %convert_element_type3A_281 = arith.extui %lt3A_280 : i1 to i32
      %cond3A_282 = arith.constant 0 : i32
      %cond3A_283 = arith.cmpi ne, %convert_element_type3A_281, %cond3A_282 : i32
      scf.if %cond3A_283 {
        %add3A_401 = arith.constant 3 : i32
        %add3A_402 = arith.addi %add3A_256, %add3A_401 : i32
        %mul3A_403 = arith.constant 128 : i32
        %mul3A_404 = arith.muli %add3A_402, %mul3A_403 : i32
        %add3A_405 = arith.addi %mul3A_2, %mul3A_404 : i32
        %eq3A_406 = arith.constant 0 : i32
        %eq3A_407 = arith.cmpi eq, %arg0, %eq3A_406 : i32
        %convert_element_type3A_408 = arith.extui %eq3A_407 : i1 to i32
        %cond3A_409 = arith.constant 0 : i32
        %cond3A_410 = arith.cmpi ne, %convert_element_type3A_408, %cond3A_409 : i32
        scf.if %cond3A_410 {
          %dma_start3A_416 = arith.constant 1 : i32
          %dma_start3A_417 = arith.constant 0 : i32
          %dma_start3A_418 = tpu.memref_slice %arg8[%dma_start3A_416, %dma_start3A_417] : memref<3x128xi32, #tpu.memory_space<vmem>> -> memref<1x128xi32, #tpu.memory_space<vmem>>
          %dma_start3A_419 = tpu.memref_squeeze %dma_start3A_418 : memref<1x128xi32, #tpu.memory_space<vmem>> -> memref<128xi32, #tpu.memory_space<vmem>>
          %dma_start3A_420 = tpu.memref_slice %arg3[%add3A_405] : memref<165888xi32, #tpu.memory_space<hbm>> -> memref<128xi32, #tpu.memory_space<hbm>>
          %dma_start3A_421 = arith.constant 0 : i32
          %dma_start3A_422 = tpu.memref_slice %arg8[%dma_start3A_416, %dma_start3A_421] : memref<3x128xi32, #tpu.memory_space<vmem>> -> memref<1x128xi32, #tpu.memory_space<vmem>>
          %dma_start3A_423 = tpu.memref_squeeze %dma_start3A_422 : memref<1x128xi32, #tpu.memory_space<vmem>> -> memref<128xi32, #tpu.memory_space<vmem>>
          %dma_start3A_424 = tpu.memref_slice %arg3[%add3A_405] : memref<165888xi32, #tpu.memory_space<hbm>> -> memref<128xi32, #tpu.memory_space<hbm>>
          tpu.enqueue_dma source(%dma_start3A_424 : memref<128xi32, #tpu.memory_space<hbm>>) target(%dma_start3A_423 : memref<128xi32, #tpu.memory_space<vmem>>) target_semaphore(%arg27 : memref<!tpu.dma_semaphore, #tpu.memory_space<semaphore_mem>>)
        } else {
        }
        %eq3A_411 = arith.constant 1 : i32
        %eq3A_412 = arith.cmpi eq, %arg0, %eq3A_411 : i32
        %convert_element_type3A_413 = arith.extui %eq3A_412 : i1 to i32
        %cond3A_414 = arith.constant 0 : i32
        %cond3A_415 = arith.cmpi ne, %convert_element_type3A_413, %cond3A_414 : i32
        scf.if %cond3A_415 {
          %dma_start3A_416 = arith.constant 1 : i32
          %dma_start3A_417 = arith.constant 0 : i32
          %dma_start3A_418 = tpu.memref_slice %arg8[%dma_start3A_416, %dma_start3A_417] : memref<3x128xi32, #tpu.memory_space<vmem>> -> memref<1x128xi32, #tpu.memory_space<vmem>>
          %dma_start3A_419 = tpu.memref_squeeze %dma_start3A_418 : memref<1x128xi32, #tpu.memory_space<vmem>> -> memref<128xi32, #tpu.memory_space<vmem>>
          %dma_start3A_420 = tpu.memref_slice %arg4[%add3A_405] : memref<165888xi32, #tpu.memory_space<hbm>> -> memref<128xi32, #tpu.memory_space<hbm>>
          %dma_start3A_421 = arith.constant 0 : i32
          %dma_start3A_422 = tpu.memref_slice %arg8[%dma_start3A_416, %dma_start3A_421] : memref<3x128xi32, #tpu.memory_space<vmem>> -> memref<1x128xi32, #tpu.memory_space<vmem>>
          %dma_start3A_423 = tpu.memref_squeeze %dma_start3A_422 : memref<1x128xi32, #tpu.memory_space<vmem>> -> memref<128xi32, #tpu.memory_space<vmem>>
          %dma_start3A_424 = tpu.memref_slice %arg4[%add3A_405] : memref<165888xi32, #tpu.memory_space<hbm>> -> memref<128xi32, #tpu.memory_space<hbm>>
          tpu.enqueue_dma source(%dma_start3A_424 : memref<128xi32, #tpu.memory_space<hbm>>) target(%dma_start3A_423 : memref<128xi32, #tpu.memory_space<vmem>>) target_semaphore(%arg27 : memref<!tpu.dma_semaphore, #tpu.memory_space<semaphore_mem>>)
        } else {
        }
      } else {
      }
      %dma_wait3A_284 = arith.constant 1 : i32
      %dma_wait3A_285 = arith.constant 0 : i32
      %dma_wait3A_286 = tpu.memref_slice %arg9[%dma_wait3A_284, %dma_wait3A_285] : memref<3x128xi32, #tpu.memory_space<vmem>> -> memref<1x128xi32, #tpu.memory_space<vmem>>
      %dma_wait3A_287 = arith.constant 0 : i32
      %dma_wait3A_288 = tpu.memref_slice %arg5[%arg1, %add3A_256, %dma_wait3A_287] : memref<16x81x128xi32, #tpu.memory_space<hbm>> -> memref<1x1x128xi32, #tpu.memory_space<hbm>>
      %dma_wait3A_289 = tpu.memref_squeeze %dma_wait3A_288 : memref<1x1x128xi32, #tpu.memory_space<hbm>> -> memref<1x128xi32, #tpu.memory_space<hbm>>
      %dma_wait3A_290 = arith.constant 1 : i32
      %dma_wait3A_291 = arith.constant 0 : i32
      %dma_wait3A_292 = tpu.memref_slice %arg9[%dma_wait3A_290, %dma_wait3A_291] : memref<3x128xi32, #tpu.memory_space<vmem>> -> memref<1x128xi32, #tpu.memory_space<vmem>>
      %dma_wait3A_293 = arith.constant 0 : i32
      %dma_wait3A_294 = tpu.memref_slice %arg5[%arg1, %add3A_256, %dma_wait3A_293] : memref<16x81x128xi32, #tpu.memory_space<hbm>> -> memref<1x1x128xi32, #tpu.memory_space<hbm>>
      %dma_wait3A_295 = tpu.memref_squeeze %dma_wait3A_294 : memref<1x1x128xi32, #tpu.memory_space<hbm>> -> memref<1x128xi32, #tpu.memory_space<hbm>>
      tpu.wait_dma2 semaphore(%arg24 : memref<!tpu.dma_semaphore, #tpu.memory_space<semaphore_mem>>) src(%dma_wait3A_295 : memref<1x128xi32, #tpu.memory_space<hbm>>) dst(%dma_wait3A_292 : memref<1x128xi32, #tpu.memory_space<vmem>>)
      %dma_start3A_296 = arith.constant 1 : i32
      %dma_start3A_297 = arith.constant 0 : i32
      %dma_start3A_298 = tpu.memref_slice %arg9[%dma_start3A_296, %dma_start3A_297] : memref<3x128xi32, #tpu.memory_space<vmem>> -> memref<1x128xi32, #tpu.memory_space<vmem>>
      %dma_start3A_299 = tpu.memref_squeeze %dma_start3A_298 : memref<1x128xi32, #tpu.memory_space<vmem>> -> memref<128xi32, #tpu.memory_space<vmem>>
      %dma_start3A_300 = arith.constant 0 : i32
      %dma_start3A_301 = arith.constant 0 : i32
      %dma_start3A_302 = tpu.memref_slice %arg13[%dma_start3A_300, %dma_start3A_301] : memref<10016x128xf32, #tpu.memory_space<vmem_shared>> -> memref<10016x128xf32, #tpu.memory_space<vmem_shared>>
      tpu.enqueue_indirect_dma source(%arg11 : memref<128x128xf32, #tpu.memory_space<vmem>>) target(%dma_start3A_302 : memref<10016x128xf32, #tpu.memory_space<vmem_shared>>) offsets(%dma_start3A_299 : memref<128xi32, #tpu.memory_space<vmem>>) semaphore(%arg21 : memref<!tpu.dma_semaphore, #tpu.memory_space<semaphore_mem>>) {add = true}
      %add3A_303 = arith.constant 3 : i32
      %add3A_304 = arith.addi %add3A_256, %add3A_303 : i32
      %sub3A_305 = arith.constant 1 : i32
      %sub3A_306 = arith.subi %add3A_304, %sub3A_305 : i32
      %lt3A_307 = arith.constant 81 : i32
      %lt3A_308 = arith.cmpi slt, %sub3A_306, %lt3A_307 : i32
      %ge3A_309 = arith.constant 1 : i32
      %ge3A_310 = arith.cmpi sge, %add3A_256, %ge3A_309 : i32
      %and3A_311 = arith.andi %lt3A_308, %ge3A_310 : i1
      %convert_element_type3A_312 = arith.extui %and3A_311 : i1 to i32
      %cond3A_313 = arith.constant 0 : i32
      %cond3A_314 = arith.cmpi ne, %convert_element_type3A_312, %cond3A_313 : i32
      scf.if %cond3A_314 {
        %dma_wait3A_401 = arith.constant 0 : i32
        %dma_wait3A_402 = arith.constant 0 : i32
        %dma_wait3A_403 = tpu.memref_slice %arg9[%dma_wait3A_401, %dma_wait3A_402] : memref<3x128xi32, #tpu.memory_space<vmem>> -> memref<1x128xi32, #tpu.memory_space<vmem>>
        %dma_wait3A_404 = tpu.memref_squeeze %dma_wait3A_403 : memref<1x128xi32, #tpu.memory_space<vmem>> -> memref<128xi32, #tpu.memory_space<vmem>>
        %dma_wait3A_405 = arith.constant 0 : i32
        %dma_wait3A_406 = arith.constant 0 : i32
        %dma_wait3A_407 = tpu.memref_slice %arg13[%dma_wait3A_405, %dma_wait3A_406] : memref<10016x128xf32, #tpu.memory_space<vmem_shared>> -> memref<10016x128xf32, #tpu.memory_space<vmem_shared>>
        tpu.wait_indirect_dma semaphore(%arg20 : memref<!tpu.dma_semaphore, #tpu.memory_space<semaphore_mem>>) src(%arg10 : memref<128x128xf32, #tpu.memory_space<vmem>>) dst(%dma_wait3A_407 : memref<10016x128xf32, #tpu.memory_space<vmem_shared>>)
      } else {
      }
      %lt3A_315 = arith.constant 81 : i32
      %lt3A_316 = arith.cmpi slt, %sub3A_306, %lt3A_315 : i32
      %ge3A_317 = arith.constant 3 : i32
      %ge3A_318 = arith.cmpi sge, %sub3A_306, %ge3A_317 : i32
      %and3A_319 = arith.andi %lt3A_316, %ge3A_318 : i1
      %convert_element_type3A_320 = arith.extui %and3A_319 : i1 to i32
      %cond3A_321 = arith.constant 0 : i32
      %cond3A_322 = arith.cmpi ne, %convert_element_type3A_320, %cond3A_321 : i32
      scf.if %cond3A_322 {
        %dma_start3A_401 = arith.constant 0 : i32
        %dma_start3A_402 = arith.constant 0 : i32
        %dma_start3A_403 = tpu.memref_slice %arg9[%dma_start3A_401, %dma_start3A_402] : memref<3x128xi32, #tpu.memory_space<vmem>> -> memref<1x128xi32, #tpu.memory_space<vmem>>
        %dma_start3A_404 = arith.constant 0 : i32
        %dma_start3A_405 = tpu.memref_slice %arg5[%arg1, %sub3A_306, %dma_start3A_404] : memref<16x81x128xi32, #tpu.memory_space<hbm>> -> memref<1x1x128xi32, #tpu.memory_space<hbm>>
        %dma_start3A_406 = tpu.memref_squeeze %dma_start3A_405 : memref<1x1x128xi32, #tpu.memory_space<hbm>> -> memref<1x128xi32, #tpu.memory_space<hbm>>
        %dma_start3A_407 = arith.constant 0 : i32
        %dma_start3A_408 = arith.constant 0 : i32
        %dma_start3A_409 = tpu.memref_slice %arg9[%dma_start3A_407, %dma_start3A_408] : memref<3x128xi32, #tpu.memory_space<vmem>> -> memref<1x128xi32, #tpu.memory_space<vmem>>
        %dma_start3A_410 = arith.constant 0 : i32
        %dma_start3A_411 = tpu.memref_slice %arg5[%arg1, %sub3A_306, %dma_start3A_410] : memref<16x81x128xi32, #tpu.memory_space<hbm>> -> memref<1x1x128xi32, #tpu.memory_space<hbm>>
        %dma_start3A_412 = tpu.memref_squeeze %dma_start3A_411 : memref<1x1x128xi32, #tpu.memory_space<hbm>> -> memref<1x128xi32, #tpu.memory_space<hbm>>
        tpu.enqueue_dma source(%dma_start3A_412 : memref<1x128xi32, #tpu.memory_space<hbm>>) target(%dma_start3A_409 : memref<1x128xi32, #tpu.memory_space<vmem>>) target_semaphore(%arg23 : memref<!tpu.dma_semaphore, #tpu.memory_space<semaphore_mem>>)
      } else {
      }
      %lt3A_323 = arith.constant 81 : i32
      %lt3A_324 = arith.cmpi slt, %sub3A_306, %lt3A_323 : i32
      %convert_element_type3A_325 = arith.extui %lt3A_324 : i1 to i32
      %cond3A_326 = arith.constant 0 : i32
      %cond3A_327 = arith.cmpi ne, %convert_element_type3A_325, %cond3A_326 : i32
      scf.if %cond3A_327 {
        %dma_wait3A_401 = arith.constant 0 : i32
        %dma_wait3A_402 = arith.constant 0 : i32
        %dma_wait3A_403 = tpu.memref_slice %arg8[%dma_wait3A_401, %dma_wait3A_402] : memref<3x128xi32, #tpu.memory_space<vmem>> -> memref<1x128xi32, #tpu.memory_space<vmem>>
        %dma_wait3A_404 = tpu.memref_squeeze %dma_wait3A_403 : memref<1x128xi32, #tpu.memory_space<vmem>> -> memref<128xi32, #tpu.memory_space<vmem>>
        %dma_wait3A_405 = tpu.memref_slice %arg3[%mul3A_2] : memref<165888xi32, #tpu.memory_space<hbm>> -> memref<128xi32, #tpu.memory_space<hbm>>
        %dma_wait3A_406 = arith.constant 0 : i32
        %dma_wait3A_407 = tpu.memref_slice %arg8[%dma_wait3A_401, %dma_wait3A_406] : memref<3x128xi32, #tpu.memory_space<vmem>> -> memref<1x128xi32, #tpu.memory_space<vmem>>
        %dma_wait3A_408 = tpu.memref_squeeze %dma_wait3A_407 : memref<1x128xi32, #tpu.memory_space<vmem>> -> memref<128xi32, #tpu.memory_space<vmem>>
        %dma_wait3A_409 = tpu.memref_slice %arg3[%mul3A_2] : memref<165888xi32, #tpu.memory_space<hbm>> -> memref<128xi32, #tpu.memory_space<hbm>>
        tpu.wait_dma2 semaphore(%arg26 : memref<!tpu.dma_semaphore, #tpu.memory_space<semaphore_mem>>) src(%dma_wait3A_409 : memref<128xi32, #tpu.memory_space<hbm>>) dst(%dma_wait3A_408 : memref<128xi32, #tpu.memory_space<vmem>>)
        %dma_start3A_410 = arith.constant 0 : i32
        %dma_start3A_411 = arith.constant 0 : i32
        %dma_start3A_412 = arith.constant 0 : i32
        %dma_start3A_413 = tpu.memref_slice %arg10[%dma_start3A_411, %dma_start3A_412] : memref<128x128xf32, #tpu.memory_space<vmem>> -> memref<64x128xf32, #tpu.memory_space<vmem>>
        %dma_start3A_414 = arith.constant 0 : i32
        %dma_start3A_415 = tpu.memref_slice %arg8[%dma_start3A_410, %dma_start3A_414] : memref<3x128xi32, #tpu.memory_space<vmem>> -> memref<1x64xi32, #tpu.memory_space<vmem>>
        %dma_start3A_416 = tpu.memref_squeeze %dma_start3A_415 : memref<1x64xi32, #tpu.memory_space<vmem>> -> memref<64xi32, #tpu.memory_space<vmem>>
        %dma_start3A_417 = arith.constant 0 : i32
        %dma_start3A_418 = arith.constant 0 : i32
        %dma_start3A_419 = tpu.memref_slice %arg2[%dma_start3A_417, %dma_start3A_418] : memref<20000x128xf32, #tpu.memory_space<hbm>> -> memref<20000x128xf32, #tpu.memory_space<hbm>>
        tpu.enqueue_indirect_dma source(%dma_start3A_419 : memref<20000x128xf32, #tpu.memory_space<hbm>>) target(%dma_start3A_413 : memref<64x128xf32, #tpu.memory_space<vmem>>) offsets(%dma_start3A_416 : memref<64xi32, #tpu.memory_space<vmem>>) semaphore(%arg14 : memref<!tpu.dma_semaphore, #tpu.memory_space<semaphore_mem>>)
        %dma_start3A_420 = arith.constant 0 : i32
        %dma_start3A_421 = arith.constant 64 : i32
        %dma_start3A_422 = arith.constant 0 : i32
        %dma_start3A_423 = tpu.memref_slice %arg10[%dma_start3A_421, %dma_start3A_422] : memref<128x128xf32, #tpu.memory_space<vmem>> -> memref<64x128xf32, #tpu.memory_space<vmem>>
        %dma_start3A_424 = arith.constant 64 : i32
        %dma_start3A_425 = tpu.memref_slice %arg8[%dma_start3A_420, %dma_start3A_424] : memref<3x128xi32, #tpu.memory_space<vmem>> -> memref<1x64xi32, #tpu.memory_space<vmem>>
        %dma_start3A_426 = tpu.memref_squeeze %dma_start3A_425 : memref<1x64xi32, #tpu.memory_space<vmem>> -> memref<64xi32, #tpu.memory_space<vmem>>
        %dma_start3A_427 = arith.constant 0 : i32
        %dma_start3A_428 = arith.constant 0 : i32
        %dma_start3A_429 = tpu.memref_slice %arg2[%dma_start3A_427, %dma_start3A_428] : memref<20000x128xf32, #tpu.memory_space<hbm>> -> memref<20000x128xf32, #tpu.memory_space<hbm>>
        tpu.enqueue_indirect_dma source(%dma_start3A_429 : memref<20000x128xf32, #tpu.memory_space<hbm>>) target(%dma_start3A_423 : memref<64x128xf32, #tpu.memory_space<vmem>>) offsets(%dma_start3A_426 : memref<64xi32, #tpu.memory_space<vmem>>) semaphore(%arg17 : memref<!tpu.dma_semaphore, #tpu.memory_space<semaphore_mem>>)
      } else {
      }
      %add3A_328 = arith.constant 2 : i32
      %add3A_329 = arith.addi %mul3A_184, %add3A_328 : i32
      %dma_wait3A_330 = arith.constant 2 : i32
      %dma_wait3A_331 = arith.constant 0 : i32
      %dma_wait3A_332 = arith.constant 0 : i32
      %dma_wait3A_333 = tpu.memref_slice %arg12[%dma_wait3A_331, %dma_wait3A_332] : memref<128x128xf32, #tpu.memory_space<vmem>> -> memref<64x128xf32, #tpu.memory_space<vmem>>
      %dma_wait3A_334 = arith.constant 0 : i32
      %dma_wait3A_335 = tpu.memref_slice %arg8[%dma_wait3A_330, %dma_wait3A_334] : memref<3x128xi32, #tpu.memory_space<vmem>> -> memref<1x64xi32, #tpu.memory_space<vmem>>
      %dma_wait3A_336 = tpu.memref_squeeze %dma_wait3A_335 : memref<1x64xi32, #tpu.memory_space<vmem>> -> memref<64xi32, #tpu.memory_space<vmem>>
      %dma_wait3A_337 = arith.constant 0 : i32
      %dma_wait3A_338 = arith.constant 0 : i32
      %dma_wait3A_339 = tpu.memref_slice %arg2[%dma_wait3A_337, %dma_wait3A_338] : memref<20000x128xf32, #tpu.memory_space<hbm>> -> memref<20000x128xf32, #tpu.memory_space<hbm>>
      tpu.wait_indirect_dma semaphore(%arg16 : memref<!tpu.dma_semaphore, #tpu.memory_space<semaphore_mem>>) src(%dma_wait3A_339 : memref<20000x128xf32, #tpu.memory_space<hbm>>) dst(%dma_wait3A_333 : memref<64x128xf32, #tpu.memory_space<vmem>>)
      %dma_wait3A_340 = arith.constant 2 : i32
      %dma_wait3A_341 = arith.constant 64 : i32
      %dma_wait3A_342 = arith.constant 0 : i32
      %dma_wait3A_343 = tpu.memref_slice %arg12[%dma_wait3A_341, %dma_wait3A_342] : memref<128x128xf32, #tpu.memory_space<vmem>> -> memref<64x128xf32, #tpu.memory_space<vmem>>
      %dma_wait3A_344 = arith.constant 64 : i32
      %dma_wait3A_345 = tpu.memref_slice %arg8[%dma_wait3A_340, %dma_wait3A_344] : memref<3x128xi32, #tpu.memory_space<vmem>> -> memref<1x64xi32, #tpu.memory_space<vmem>>
      %dma_wait3A_346 = tpu.memref_squeeze %dma_wait3A_345 : memref<1x64xi32, #tpu.memory_space<vmem>> -> memref<64xi32, #tpu.memory_space<vmem>>
      %dma_wait3A_347 = arith.constant 0 : i32
      %dma_wait3A_348 = arith.constant 0 : i32
      %dma_wait3A_349 = tpu.memref_slice %arg2[%dma_wait3A_347, %dma_wait3A_348] : memref<20000x128xf32, #tpu.memory_space<hbm>> -> memref<20000x128xf32, #tpu.memory_space<hbm>>
      tpu.wait_indirect_dma semaphore(%arg19 : memref<!tpu.dma_semaphore, #tpu.memory_space<semaphore_mem>>) src(%dma_wait3A_349 : memref<20000x128xf32, #tpu.memory_space<hbm>>) dst(%dma_wait3A_343 : memref<64x128xf32, #tpu.memory_space<vmem>>)
      %add3A_350 = arith.constant 3 : i32
      %add3A_351 = arith.addi %add3A_329, %add3A_350 : i32
      %lt3A_352 = arith.constant 81 : i32
      %lt3A_353 = arith.cmpi slt, %add3A_351, %lt3A_352 : i32
      %convert_element_type3A_354 = arith.extui %lt3A_353 : i1 to i32
      %cond3A_355 = arith.constant 0 : i32
      %cond3A_356 = arith.cmpi ne, %convert_element_type3A_354, %cond3A_355 : i32
      scf.if %cond3A_356 {
        %add3A_401 = arith.constant 3 : i32
        %add3A_402 = arith.addi %add3A_329, %add3A_401 : i32
        %mul3A_403 = arith.constant 128 : i32
        %mul3A_404 = arith.muli %add3A_402, %mul3A_403 : i32
        %add3A_405 = arith.addi %mul3A_2, %mul3A_404 : i32
        %eq3A_406 = arith.constant 0 : i32
        %eq3A_407 = arith.cmpi eq, %arg0, %eq3A_406 : i32
        %convert_element_type3A_408 = arith.extui %eq3A_407 : i1 to i32
        %cond3A_409 = arith.constant 0 : i32
        %cond3A_410 = arith.cmpi ne, %convert_element_type3A_408, %cond3A_409 : i32
        scf.if %cond3A_410 {
          %dma_start3A_416 = arith.constant 2 : i32
          %dma_start3A_417 = arith.constant 0 : i32
          %dma_start3A_418 = tpu.memref_slice %arg8[%dma_start3A_416, %dma_start3A_417] : memref<3x128xi32, #tpu.memory_space<vmem>> -> memref<1x128xi32, #tpu.memory_space<vmem>>
          %dma_start3A_419 = tpu.memref_squeeze %dma_start3A_418 : memref<1x128xi32, #tpu.memory_space<vmem>> -> memref<128xi32, #tpu.memory_space<vmem>>
          %dma_start3A_420 = tpu.memref_slice %arg3[%add3A_405] : memref<165888xi32, #tpu.memory_space<hbm>> -> memref<128xi32, #tpu.memory_space<hbm>>
          %dma_start3A_421 = arith.constant 0 : i32
          %dma_start3A_422 = tpu.memref_slice %arg8[%dma_start3A_416, %dma_start3A_421] : memref<3x128xi32, #tpu.memory_space<vmem>> -> memref<1x128xi32, #tpu.memory_space<vmem>>
          %dma_start3A_423 = tpu.memref_squeeze %dma_start3A_422 : memref<1x128xi32, #tpu.memory_space<vmem>> -> memref<128xi32, #tpu.memory_space<vmem>>
          %dma_start3A_424 = tpu.memref_slice %arg3[%add3A_405] : memref<165888xi32, #tpu.memory_space<hbm>> -> memref<128xi32, #tpu.memory_space<hbm>>
          tpu.enqueue_dma source(%dma_start3A_424 : memref<128xi32, #tpu.memory_space<hbm>>) target(%dma_start3A_423 : memref<128xi32, #tpu.memory_space<vmem>>) target_semaphore(%arg28 : memref<!tpu.dma_semaphore, #tpu.memory_space<semaphore_mem>>)
        } else {
        }
        %eq3A_411 = arith.constant 1 : i32
        %eq3A_412 = arith.cmpi eq, %arg0, %eq3A_411 : i32
        %convert_element_type3A_413 = arith.extui %eq3A_412 : i1 to i32
        %cond3A_414 = arith.constant 0 : i32
        %cond3A_415 = arith.cmpi ne, %convert_element_type3A_413, %cond3A_414 : i32
        scf.if %cond3A_415 {
          %dma_start3A_416 = arith.constant 2 : i32
          %dma_start3A_417 = arith.constant 0 : i32
          %dma_start3A_418 = tpu.memref_slice %arg8[%dma_start3A_416, %dma_start3A_417] : memref<3x128xi32, #tpu.memory_space<vmem>> -> memref<1x128xi32, #tpu.memory_space<vmem>>
          %dma_start3A_419 = tpu.memref_squeeze %dma_start3A_418 : memref<1x128xi32, #tpu.memory_space<vmem>> -> memref<128xi32, #tpu.memory_space<vmem>>
          %dma_start3A_420 = tpu.memref_slice %arg4[%add3A_405] : memref<165888xi32, #tpu.memory_space<hbm>> -> memref<128xi32, #tpu.memory_space<hbm>>
          %dma_start3A_421 = arith.constant 0 : i32
          %dma_start3A_422 = tpu.memref_slice %arg8[%dma_start3A_416, %dma_start3A_421] : memref<3x128xi32, #tpu.memory_space<vmem>> -> memref<1x128xi32, #tpu.memory_space<vmem>>
          %dma_start3A_423 = tpu.memref_squeeze %dma_start3A_422 : memref<1x128xi32, #tpu.memory_space<vmem>> -> memref<128xi32, #tpu.memory_space<vmem>>
          %dma_start3A_424 = tpu.memref_slice %arg4[%add3A_405] : memref<165888xi32, #tpu.memory_space<hbm>> -> memref<128xi32, #tpu.memory_space<hbm>>
          tpu.enqueue_dma source(%dma_start3A_424 : memref<128xi32, #tpu.memory_space<hbm>>) target(%dma_start3A_423 : memref<128xi32, #tpu.memory_space<vmem>>) target_semaphore(%arg28 : memref<!tpu.dma_semaphore, #tpu.memory_space<semaphore_mem>>)
        } else {
        }
      } else {
      }
      %dma_wait3A_357 = arith.constant 2 : i32
      %dma_wait3A_358 = arith.constant 0 : i32
      %dma_wait3A_359 = tpu.memref_slice %arg9[%dma_wait3A_357, %dma_wait3A_358] : memref<3x128xi32, #tpu.memory_space<vmem>> -> memref<1x128xi32, #tpu.memory_space<vmem>>
      %dma_wait3A_360 = arith.constant 0 : i32
      %dma_wait3A_361 = tpu.memref_slice %arg5[%arg1, %add3A_329, %dma_wait3A_360] : memref<16x81x128xi32, #tpu.memory_space<hbm>> -> memref<1x1x128xi32, #tpu.memory_space<hbm>>
      %dma_wait3A_362 = tpu.memref_squeeze %dma_wait3A_361 : memref<1x1x128xi32, #tpu.memory_space<hbm>> -> memref<1x128xi32, #tpu.memory_space<hbm>>
      %dma_wait3A_363 = arith.constant 2 : i32
      %dma_wait3A_364 = arith.constant 0 : i32
      %dma_wait3A_365 = tpu.memref_slice %arg9[%dma_wait3A_363, %dma_wait3A_364] : memref<3x128xi32, #tpu.memory_space<vmem>> -> memref<1x128xi32, #tpu.memory_space<vmem>>
      %dma_wait3A_366 = arith.constant 0 : i32
      %dma_wait3A_367 = tpu.memref_slice %arg5[%arg1, %add3A_329, %dma_wait3A_366] : memref<16x81x128xi32, #tpu.memory_space<hbm>> -> memref<1x1x128xi32, #tpu.memory_space<hbm>>
      %dma_wait3A_368 = tpu.memref_squeeze %dma_wait3A_367 : memref<1x1x128xi32, #tpu.memory_space<hbm>> -> memref<1x128xi32, #tpu.memory_space<hbm>>
      tpu.wait_dma2 semaphore(%arg25 : memref<!tpu.dma_semaphore, #tpu.memory_space<semaphore_mem>>) src(%dma_wait3A_368 : memref<1x128xi32, #tpu.memory_space<hbm>>) dst(%dma_wait3A_365 : memref<1x128xi32, #tpu.memory_space<vmem>>)
      %dma_start3A_369 = arith.constant 2 : i32
      %dma_start3A_370 = arith.constant 0 : i32
      %dma_start3A_371 = tpu.memref_slice %arg9[%dma_start3A_369, %dma_start3A_370] : memref<3x128xi32, #tpu.memory_space<vmem>> -> memref<1x128xi32, #tpu.memory_space<vmem>>
      %dma_start3A_372 = tpu.memref_squeeze %dma_start3A_371 : memref<1x128xi32, #tpu.memory_space<vmem>> -> memref<128xi32, #tpu.memory_space<vmem>>
      %dma_start3A_373 = arith.constant 0 : i32
      %dma_start3A_374 = arith.constant 0 : i32
      %dma_start3A_375 = tpu.memref_slice %arg13[%dma_start3A_373, %dma_start3A_374] : memref<10016x128xf32, #tpu.memory_space<vmem_shared>> -> memref<10016x128xf32, #tpu.memory_space<vmem_shared>>
      tpu.enqueue_indirect_dma source(%arg12 : memref<128x128xf32, #tpu.memory_space<vmem>>) target(%dma_start3A_375 : memref<10016x128xf32, #tpu.memory_space<vmem_shared>>) offsets(%dma_start3A_372 : memref<128xi32, #tpu.memory_space<vmem>>) semaphore(%arg22 : memref<!tpu.dma_semaphore, #tpu.memory_space<semaphore_mem>>) {add = true}
      %add3A_376 = arith.constant 3 : i32
      %add3A_377 = arith.addi %add3A_329, %add3A_376 : i32
      %sub3A_378 = arith.constant 1 : i32
      %sub3A_379 = arith.subi %add3A_377, %sub3A_378 : i32
      %lt3A_380 = arith.constant 81 : i32
      %lt3A_381 = arith.cmpi slt, %sub3A_379, %lt3A_380 : i32
      %ge3A_382 = arith.constant 1 : i32
      %ge3A_383 = arith.cmpi sge, %add3A_329, %ge3A_382 : i32
      %and3A_384 = arith.andi %lt3A_381, %ge3A_383 : i1
      %convert_element_type3A_385 = arith.extui %and3A_384 : i1 to i32
      %cond3A_386 = arith.constant 0 : i32
      %cond3A_387 = arith.cmpi ne, %convert_element_type3A_385, %cond3A_386 : i32
      scf.if %cond3A_387 {
        %dma_wait3A_401 = arith.constant 1 : i32
        %dma_wait3A_402 = arith.constant 0 : i32
        %dma_wait3A_403 = tpu.memref_slice %arg9[%dma_wait3A_401, %dma_wait3A_402] : memref<3x128xi32, #tpu.memory_space<vmem>> -> memref<1x128xi32, #tpu.memory_space<vmem>>
        %dma_wait3A_404 = tpu.memref_squeeze %dma_wait3A_403 : memref<1x128xi32, #tpu.memory_space<vmem>> -> memref<128xi32, #tpu.memory_space<vmem>>
        %dma_wait3A_405 = arith.constant 0 : i32
        %dma_wait3A_406 = arith.constant 0 : i32
        %dma_wait3A_407 = tpu.memref_slice %arg13[%dma_wait3A_405, %dma_wait3A_406] : memref<10016x128xf32, #tpu.memory_space<vmem_shared>> -> memref<10016x128xf32, #tpu.memory_space<vmem_shared>>
        tpu.wait_indirect_dma semaphore(%arg21 : memref<!tpu.dma_semaphore, #tpu.memory_space<semaphore_mem>>) src(%arg11 : memref<128x128xf32, #tpu.memory_space<vmem>>) dst(%dma_wait3A_407 : memref<10016x128xf32, #tpu.memory_space<vmem_shared>>)
      } else {
      }
      %lt3A_388 = arith.constant 81 : i32
      %lt3A_389 = arith.cmpi slt, %sub3A_379, %lt3A_388 : i32
      %ge3A_390 = arith.constant 3 : i32
      %ge3A_391 = arith.cmpi sge, %sub3A_379, %ge3A_390 : i32
      %and3A_392 = arith.andi %lt3A_389, %ge3A_391 : i1
      %convert_element_type3A_393 = arith.extui %and3A_392 : i1 to i32
      %cond3A_394 = arith.constant 0 : i32
      %cond3A_395 = arith.cmpi ne, %convert_element_type3A_393, %cond3A_394 : i32
      scf.if %cond3A_395 {
        %dma_start3A_401 = arith.constant 1 : i32
        %dma_start3A_402 = arith.constant 0 : i32
        %dma_start3A_403 = tpu.memref_slice %arg9[%dma_start3A_401, %dma_start3A_402] : memref<3x128xi32, #tpu.memory_space<vmem>> -> memref<1x128xi32, #tpu.memory_space<vmem>>
        %dma_start3A_404 = arith.constant 0 : i32
        %dma_start3A_405 = tpu.memref_slice %arg5[%arg1, %sub3A_379, %dma_start3A_404] : memref<16x81x128xi32, #tpu.memory_space<hbm>> -> memref<1x1x128xi32, #tpu.memory_space<hbm>>
        %dma_start3A_406 = tpu.memref_squeeze %dma_start3A_405 : memref<1x1x128xi32, #tpu.memory_space<hbm>> -> memref<1x128xi32, #tpu.memory_space<hbm>>
        %dma_start3A_407 = arith.constant 1 : i32
        %dma_start3A_408 = arith.constant 0 : i32
        %dma_start3A_409 = tpu.memref_slice %arg9[%dma_start3A_407, %dma_start3A_408] : memref<3x128xi32, #tpu.memory_space<vmem>> -> memref<1x128xi32, #tpu.memory_space<vmem>>
        %dma_start3A_410 = arith.constant 0 : i32
        %dma_start3A_411 = tpu.memref_slice %arg5[%arg1, %sub3A_379, %dma_start3A_410] : memref<16x81x128xi32, #tpu.memory_space<hbm>> -> memref<1x1x128xi32, #tpu.memory_space<hbm>>
        %dma_start3A_412 = tpu.memref_squeeze %dma_start3A_411 : memref<1x1x128xi32, #tpu.memory_space<hbm>> -> memref<1x128xi32, #tpu.memory_space<hbm>>
        tpu.enqueue_dma source(%dma_start3A_412 : memref<1x128xi32, #tpu.memory_space<hbm>>) target(%dma_start3A_409 : memref<1x128xi32, #tpu.memory_space<vmem>>) target_semaphore(%arg24 : memref<!tpu.dma_semaphore, #tpu.memory_space<semaphore_mem>>)
      } else {
      }
      %lt3A_396 = arith.constant 81 : i32
      %lt3A_397 = arith.cmpi slt, %sub3A_379, %lt3A_396 : i32
      %convert_element_type3A_398 = arith.extui %lt3A_397 : i1 to i32
      %cond3A_399 = arith.constant 0 : i32
      %cond3A_400 = arith.cmpi ne, %convert_element_type3A_398, %cond3A_399 : i32
      scf.if %cond3A_400 {
        %dma_wait3A_401 = arith.constant 1 : i32
        %dma_wait3A_402 = arith.constant 0 : i32
        %dma_wait3A_403 = tpu.memref_slice %arg8[%dma_wait3A_401, %dma_wait3A_402] : memref<3x128xi32, #tpu.memory_space<vmem>> -> memref<1x128xi32, #tpu.memory_space<vmem>>
        %dma_wait3A_404 = tpu.memref_squeeze %dma_wait3A_403 : memref<1x128xi32, #tpu.memory_space<vmem>> -> memref<128xi32, #tpu.memory_space<vmem>>
        %dma_wait3A_405 = tpu.memref_slice %arg3[%mul3A_2] : memref<165888xi32, #tpu.memory_space<hbm>> -> memref<128xi32, #tpu.memory_space<hbm>>
        %dma_wait3A_406 = arith.constant 0 : i32
        %dma_wait3A_407 = tpu.memref_slice %arg8[%dma_wait3A_401, %dma_wait3A_406] : memref<3x128xi32, #tpu.memory_space<vmem>> -> memref<1x128xi32, #tpu.memory_space<vmem>>
        %dma_wait3A_408 = tpu.memref_squeeze %dma_wait3A_407 : memref<1x128xi32, #tpu.memory_space<vmem>> -> memref<128xi32, #tpu.memory_space<vmem>>
        %dma_wait3A_409 = tpu.memref_slice %arg3[%mul3A_2] : memref<165888xi32, #tpu.memory_space<hbm>> -> memref<128xi32, #tpu.memory_space<hbm>>
        tpu.wait_dma2 semaphore(%arg27 : memref<!tpu.dma_semaphore, #tpu.memory_space<semaphore_mem>>) src(%dma_wait3A_409 : memref<128xi32, #tpu.memory_space<hbm>>) dst(%dma_wait3A_408 : memref<128xi32, #tpu.memory_space<vmem>>)
        %dma_start3A_410 = arith.constant 1 : i32
        %dma_start3A_411 = arith.constant 0 : i32
        %dma_start3A_412 = arith.constant 0 : i32
        %dma_start3A_413 = tpu.memref_slice %arg11[%dma_start3A_411, %dma_start3A_412] : memref<128x128xf32, #tpu.memory_space<vmem>> -> memref<64x128xf32, #tpu.memory_space<vmem>>
        %dma_start3A_414 = arith.constant 0 : i32
        %dma_start3A_415 = tpu.memref_slice %arg8[%dma_start3A_410, %dma_start3A_414] : memref<3x128xi32, #tpu.memory_space<vmem>> -> memref<1x64xi32, #tpu.memory_space<vmem>>
        %dma_start3A_416 = tpu.memref_squeeze %dma_start3A_415 : memref<1x64xi32, #tpu.memory_space<vmem>> -> memref<64xi32, #tpu.memory_space<vmem>>
        %dma_start3A_417 = arith.constant 0 : i32
        %dma_start3A_418 = arith.constant 0 : i32
        %dma_start3A_419 = tpu.memref_slice %arg2[%dma_start3A_417, %dma_start3A_418] : memref<20000x128xf32, #tpu.memory_space<hbm>> -> memref<20000x128xf32, #tpu.memory_space<hbm>>
        tpu.enqueue_indirect_dma source(%dma_start3A_419 : memref<20000x128xf32, #tpu.memory_space<hbm>>) target(%dma_start3A_413 : memref<64x128xf32, #tpu.memory_space<vmem>>) offsets(%dma_start3A_416 : memref<64xi32, #tpu.memory_space<vmem>>) semaphore(%arg15 : memref<!tpu.dma_semaphore, #tpu.memory_space<semaphore_mem>>)
        %dma_start3A_420 = arith.constant 1 : i32
        %dma_start3A_421 = arith.constant 64 : i32
        %dma_start3A_422 = arith.constant 0 : i32
        %dma_start3A_423 = tpu.memref_slice %arg11[%dma_start3A_421, %dma_start3A_422] : memref<128x128xf32, #tpu.memory_space<vmem>> -> memref<64x128xf32, #tpu.memory_space<vmem>>
        %dma_start3A_424 = arith.constant 64 : i32
        %dma_start3A_425 = tpu.memref_slice %arg8[%dma_start3A_420, %dma_start3A_424] : memref<3x128xi32, #tpu.memory_space<vmem>> -> memref<1x64xi32, #tpu.memory_space<vmem>>
        %dma_start3A_426 = tpu.memref_squeeze %dma_start3A_425 : memref<1x64xi32, #tpu.memory_space<vmem>> -> memref<64xi32, #tpu.memory_space<vmem>>
        %dma_start3A_427 = arith.constant 0 : i32
        %dma_start3A_428 = arith.constant 0 : i32
        %dma_start3A_429 = tpu.memref_slice %arg2[%dma_start3A_427, %dma_start3A_428] : memref<20000x128xf32, #tpu.memory_space<hbm>> -> memref<20000x128xf32, #tpu.memory_space<hbm>>
        tpu.enqueue_indirect_dma source(%dma_start3A_429 : memref<20000x128xf32, #tpu.memory_space<hbm>>) target(%dma_start3A_423 : memref<64x128xf32, #tpu.memory_space<vmem>>) offsets(%dma_start3A_426 : memref<64xi32, #tpu.memory_space<vmem>>) semaphore(%arg18 : memref<!tpu.dma_semaphore, #tpu.memory_space<semaphore_mem>>)
      } else {
      }
    }
    %scan3A_146 = arith.constant 27 : i32
    %dma_wait3A_147 = arith.constant 0 : i32
    %dma_wait3A_148 = arith.constant 0 : i32
    %dma_wait3A_149 = tpu.memref_slice %arg9[%dma_wait3A_147, %dma_wait3A_148] : memref<3x128xi32, #tpu.memory_space<vmem>> -> memref<1x128xi32, #tpu.memory_space<vmem>>
    %dma_wait3A_150 = tpu.memref_squeeze %dma_wait3A_149 : memref<1x128xi32, #tpu.memory_space<vmem>> -> memref<128xi32, #tpu.memory_space<vmem>>
    %dma_wait3A_151 = arith.constant 0 : i32
    %dma_wait3A_152 = arith.constant 0 : i32
    %dma_wait3A_153 = tpu.memref_slice %arg13[%dma_wait3A_151, %dma_wait3A_152] : memref<10016x128xf32, #tpu.memory_space<vmem_shared>> -> memref<10016x128xf32, #tpu.memory_space<vmem_shared>>
    tpu.wait_indirect_dma semaphore(%arg20 : memref<!tpu.dma_semaphore, #tpu.memory_space<semaphore_mem>>) src(%arg10 : memref<128x128xf32, #tpu.memory_space<vmem>>) dst(%dma_wait3A_153 : memref<10016x128xf32, #tpu.memory_space<vmem_shared>>)
    %dma_wait3A_154 = arith.constant 1 : i32
    %dma_wait3A_155 = arith.constant 0 : i32
    %dma_wait3A_156 = tpu.memref_slice %arg9[%dma_wait3A_154, %dma_wait3A_155] : memref<3x128xi32, #tpu.memory_space<vmem>> -> memref<1x128xi32, #tpu.memory_space<vmem>>
    %dma_wait3A_157 = tpu.memref_squeeze %dma_wait3A_156 : memref<1x128xi32, #tpu.memory_space<vmem>> -> memref<128xi32, #tpu.memory_space<vmem>>
    %dma_wait3A_158 = arith.constant 0 : i32
    %dma_wait3A_159 = arith.constant 0 : i32
    %dma_wait3A_160 = tpu.memref_slice %arg13[%dma_wait3A_158, %dma_wait3A_159] : memref<10016x128xf32, #tpu.memory_space<vmem_shared>> -> memref<10016x128xf32, #tpu.memory_space<vmem_shared>>
    tpu.wait_indirect_dma semaphore(%arg21 : memref<!tpu.dma_semaphore, #tpu.memory_space<semaphore_mem>>) src(%arg11 : memref<128x128xf32, #tpu.memory_space<vmem>>) dst(%dma_wait3A_160 : memref<10016x128xf32, #tpu.memory_space<vmem_shared>>)
    %dma_wait3A_161 = arith.constant 2 : i32
    %dma_wait3A_162 = arith.constant 0 : i32
    %dma_wait3A_163 = tpu.memref_slice %arg9[%dma_wait3A_161, %dma_wait3A_162] : memref<3x128xi32, #tpu.memory_space<vmem>> -> memref<1x128xi32, #tpu.memory_space<vmem>>
    %dma_wait3A_164 = tpu.memref_squeeze %dma_wait3A_163 : memref<1x128xi32, #tpu.memory_space<vmem>> -> memref<128xi32, #tpu.memory_space<vmem>>
    %dma_wait3A_165 = arith.constant 0 : i32
    %dma_wait3A_166 = arith.constant 0 : i32
    %dma_wait3A_167 = tpu.memref_slice %arg13[%dma_wait3A_165, %dma_wait3A_166] : memref<10016x128xf32, #tpu.memory_space<vmem_shared>> -> memref<10016x128xf32, #tpu.memory_space<vmem_shared>>
    tpu.wait_indirect_dma semaphore(%arg22 : memref<!tpu.dma_semaphore, #tpu.memory_space<semaphore_mem>>) src(%arg12 : memref<128x128xf32, #tpu.memory_space<vmem>>) dst(%dma_wait3A_167 : memref<10016x128xf32, #tpu.memory_space<vmem_shared>>)
    %barrier3A_168 = arith.constant 0 : index
    tpu.barrier barrier_id(%barrier3A_168)
    %mul3A_169 = arith.constant 10000 : i32
    %mul3A_170 = arith.muli %arg0, %mul3A_169 : i32
    %add3A_171 = arith.addi %mul3A_170, %mul3A_0 : i32
    %lt3A_172 = arith.constant 15 : i32
    %lt3A_173 = arith.cmpi slt, %arg1, %lt3A_172 : i32
    %convert_element_type3A_174 = arith.extui %lt3A_173 : i1 to i32
    %cond3A_175 = arith.constant 0 : i32
    %cond3A_176 = arith.cmpi ne, %convert_element_type3A_174, %cond3A_175 : i32
    scf.if %cond3A_176 {
      "tpu.region"() ({
        %run_scoped3A = tpu.sem_alloc : memref<!tpu.dma_semaphore, #tpu.memory_space<semaphore_mem>>
        %dma_start3A_182 = arith.constant 0 : i32
        %dma_start3A_183 = tpu.memref_slice %arg7[%add3A_171, %dma_start3A_182] : memref<20000x128xf32, #tpu.memory_space<hbm>> -> memref<640x128xf32, #tpu.memory_space<hbm>>
        %dma_start3A_184 = arith.constant 0 : i32
        %dma_start3A_185 = tpu.memref_slice %arg13[%mul3A_0, %dma_start3A_184] : memref<10016x128xf32, #tpu.memory_space<vmem_shared>> -> memref<640x128xf32, #tpu.memory_space<vmem_shared>>
        tpu.enqueue_dma source(%dma_start3A_185 : memref<640x128xf32, #tpu.memory_space<vmem_shared>>) target(%dma_start3A_183 : memref<640x128xf32, #tpu.memory_space<hbm>>) target_semaphore(%run_scoped3A : memref<!tpu.dma_semaphore, #tpu.memory_space<semaphore_mem>>)
        %dma_wait3A_186 = arith.constant 0 : i32
        %dma_wait3A_187 = tpu.memref_slice %arg7[%add3A_171, %dma_wait3A_186] : memref<20000x128xf32, #tpu.memory_space<hbm>> -> memref<640x128xf32, #tpu.memory_space<hbm>>
        %dma_wait3A_188 = arith.constant 0 : i32
        %dma_wait3A_189 = tpu.memref_slice %arg13[%mul3A_0, %dma_wait3A_188] : memref<10016x128xf32, #tpu.memory_space<vmem_shared>> -> memref<640x128xf32, #tpu.memory_space<vmem_shared>>
        tpu.wait_dma2 semaphore(%run_scoped3A : memref<!tpu.dma_semaphore, #tpu.memory_space<semaphore_mem>>) src(%dma_wait3A_189 : memref<640x128xf32, #tpu.memory_space<vmem_shared>>) dst(%dma_wait3A_187 : memref<640x128xf32, #tpu.memory_space<hbm>>)
        tpu.yield
      }) : () -> ()
    } else {
    }
    %eq3A_177 = arith.constant 15 : i32
    %eq3A_178 = arith.cmpi eq, %arg1, %eq3A_177 : i32
    %convert_element_type3A_179 = arith.extui %eq3A_178 : i1 to i32
    %cond3A_180 = arith.constant 0 : i32
    %cond3A_181 = arith.cmpi ne, %convert_element_type3A_179, %cond3A_180 : i32
    scf.if %cond3A_181 {
      "tpu.region"() ({
        %run_scoped3A = tpu.sem_alloc : memref<!tpu.dma_semaphore, #tpu.memory_space<semaphore_mem>>
        %dma_start3A_182 = arith.constant 0 : i32
        %dma_start3A_183 = tpu.memref_slice %arg7[%add3A_171, %dma_start3A_182] : memref<20000x128xf32, #tpu.memory_space<hbm>> -> memref<400x128xf32, #tpu.memory_space<hbm>>
        %dma_start3A_184 = arith.constant 0 : i32
        %dma_start3A_185 = tpu.memref_slice %arg13[%mul3A_0, %dma_start3A_184] : memref<10016x128xf32, #tpu.memory_space<vmem_shared>> -> memref<400x128xf32, #tpu.memory_space<vmem_shared>>
        tpu.enqueue_dma source(%dma_start3A_185 : memref<400x128xf32, #tpu.memory_space<vmem_shared>>) target(%dma_start3A_183 : memref<400x128xf32, #tpu.memory_space<hbm>>) target_semaphore(%run_scoped3A : memref<!tpu.dma_semaphore, #tpu.memory_space<semaphore_mem>>)
        %dma_wait3A_186 = arith.constant 0 : i32
        %dma_wait3A_187 = tpu.memref_slice %arg7[%add3A_171, %dma_wait3A_186] : memref<20000x128xf32, #tpu.memory_space<hbm>> -> memref<400x128xf32, #tpu.memory_space<hbm>>
        %dma_wait3A_188 = arith.constant 0 : i32
        %dma_wait3A_189 = tpu.memref_slice %arg13[%mul3A_0, %dma_wait3A_188] : memref<10016x128xf32, #tpu.memory_space<vmem_shared>> -> memref<400x128xf32, #tpu.memory_space<vmem_shared>>
        tpu.wait_dma2 semaphore(%run_scoped3A : memref<!tpu.dma_semaphore, #tpu.memory_space<semaphore_mem>>) src(%dma_wait3A_189 : memref<400x128xf32, #tpu.memory_space<vmem_shared>>) dst(%dma_wait3A_187 : memref<400x128xf32, #tpu.memory_space<hbm>>)
        tpu.yield
      }) : () -> ()
    } else {
    }
    return
  }
}

module attributes {stable_mosaic.version = 14 : i64} {
  func.func @_mm2_body(%arg0: i32, %arg1: memref<400x256xf32, #tpu.memory_space<vmem>>, %arg2: memref<2x256xf32, #tpu.memory_space<vmem>>, %arg3: memref<256x256xf32, #tpu.memory_space<vmem>>, %arg4: memref<2x400x128xf32, #tpu.memory_space<vmem>>) attributes {dimension_semantics = [#tpu.dimension_semantics<arbitrary>], iteration_bounds = array<i64: 25>, scalar_prefetch = 0 : i64, scratch_operands = 0 : i64, tpu.core_type = #tpu.core_type<tc>, window_params = [{transform_indices = @transform_0, window_bounds = array<i64: 400, 256>}, {pipeline_mode = #tpu.pipeline_mode<synchronous>, transform_indices = @transform_1, window_bounds = array<i64: 2, 256>}, {pipeline_mode = #tpu.pipeline_mode<synchronous>, transform_indices = @transform_2, window_bounds = array<i64: 256, 256>}, {transform_indices = @transform_3, window_bounds = array<i64: 2, 400, 128>}]} {
    %get3A = arith.constant 0 : index
    %get3A_0 = arith.constant 0 : index
    %get3A_1 = vector.load %arg1[%get3A, %get3A_0] : memref<400x256xf32, #tpu.memory_space<vmem>>, vector<400x256xf32>
    %get3A_2 = arith.constant 0 : index
    %get3A_3 = arith.constant 0 : index
    %get3A_4 = vector.load %arg2[%get3A_2, %get3A_3] : memref<2x256xf32, #tpu.memory_space<vmem>>, vector<1x256xf32>
    %mul3A = vector.broadcast %get3A_4 : vector<1x256xf32> to vector<400x256xf32>
    %mul3A_5 = arith.mulf %get3A_1, %mul3A : vector<400x256xf32>
    %get3A_6 = arith.constant 1 : index
    %get3A_7 = arith.constant 0 : index
    %get3A_8 = vector.load %arg2[%get3A_6, %get3A_7] : memref<2x256xf32, #tpu.memory_space<vmem>>, vector<1x256xf32>
    %add3A = vector.broadcast %get3A_8 : vector<1x256xf32> to vector<400x256xf32>
    %add3A_9 = arith.addf %mul3A_5, %add3A : vector<400x256xf32>
    %get3A_10 = arith.constant 0 : index
    %get3A_11 = arith.constant 0 : index
    %get3A_12 = vector.load %arg3[%get3A_10, %get3A_11] : memref<256x256xf32, #tpu.memory_space<vmem>>, vector<256x256xf32>
    %dot_general3A = arith.constant dense<0.000000e+00> : vector<400x256xf32>
    %dot_general3A_13 = tpu.matmul %add3A_9, %get3A_12, %dot_general3A {dimension_numbers = #tpu.dot_dimension_numbers<[1], [0], [0], [1], [0, 0, 1, 1], [], []>, transpose_lhs_hint = false} : vector<400x256xf32>, vector<256x256xf32>, vector<400x256xf32> -> vector<400x256xf32>
    %slice3A = vector.extract_strided_slice %dot_general3A_13 {offsets = [0, 0], sizes = [400, 128], strides = [1, 1]} : vector<400x256xf32> to vector<400x128xf32>
    %swap3A = arith.constant 0 : index
    %swap3A_14 = arith.constant 0 : index
    %swap3A_15 = arith.constant 0 : index
    %swap3A_16 = vector.load %arg4[%swap3A, %swap3A_14, %swap3A_15] : memref<2x400x128xf32, #tpu.memory_space<vmem>>, vector<1x400x128xf32>
    %swap3A_17 = vector.shape_cast %swap3A_16 : vector<1x400x128xf32> to vector<400x128xf32>
    %swap3A_18 = vector.shape_cast %slice3A : vector<400x128xf32> to vector<1x400x128xf32>
    tpu.vector_store %arg4[%swap3A, %swap3A_14, %swap3A_15], %swap3A_18 {strides = array<i32>} : memref<2x400x128xf32, #tpu.memory_space<vmem>>, vector<1x400x128xf32>,
    %slice3A_19 = vector.extract_strided_slice %dot_general3A_13 {offsets = [0, 128], sizes = [400, 128], strides = [1, 1]} : vector<400x256xf32> to vector<400x128xf32>
    %swap3A_20 = arith.constant 1 : index
    %swap3A_21 = arith.constant 0 : index
    %swap3A_22 = arith.constant 0 : index
    %swap3A_23 = vector.load %arg4[%swap3A_20, %swap3A_21, %swap3A_22] : memref<2x400x128xf32, #tpu.memory_space<vmem>>, vector<1x400x128xf32>
    %swap3A_24 = vector.shape_cast %swap3A_23 : vector<1x400x128xf32> to vector<400x128xf32>
    %swap3A_25 = vector.shape_cast %slice3A_19 : vector<400x128xf32> to vector<1x400x128xf32>
    tpu.vector_store %arg4[%swap3A_20, %swap3A_21, %swap3A_22], %swap3A_25 {strides = array<i32>} : memref<2x400x128xf32, #tpu.memory_space<vmem>>, vector<1x400x128xf32>,
    return
  }
  func.func @transform_0(%arg0: i32) -> (i32, i32) {
    %c0_i32 = arith.constant 0 : i32
    %c0_i32_0 = arith.constant 0 : i32
    return %arg0, %c0_i32 : i32, i32
  }
  func.func @transform_1(%arg0: i32) -> (i32, i32) {
    %c0_i32 = arith.constant 0 : i32
    %c0_i32_0 = arith.constant 0 : i32
    %c0_i32_1 = arith.constant 0 : i32
    return %c0_i32, %c0_i32_0 : i32, i32
  }
  func.func @transform_2(%arg0: i32) -> (i32, i32) {
    %c0_i32 = arith.constant 0 : i32
    %c0_i32_0 = arith.constant 0 : i32
    %c0_i32_1 = arith.constant 0 : i32
    return %c0_i32, %c0_i32_0 : i32, i32
  }
  func.func @transform_3(%arg0: i32) -> (i32, i32, i32) {
    %c0_i32 = arith.constant 0 : i32
    %c0_i32_0 = arith.constant 0 : i32
    %c0_i32_1 = arith.constant 0 : i32
    return %c0_i32, %arg0, %c0_i32_0 : i32, i32, i32
  }
}

module attributes {stable_mosaic.version = 14 : i64} {
  func.func @_mm_stats_body(%arg0: i32, %arg1: memref<400x256xf32, #tpu.memory_space<vmem>>, %arg2: memref<256x256xf32, #tpu.memory_space<vmem>>, %arg3: memref<400x256xf32, #tpu.memory_space<vmem>>, %arg4: memref<2x256xf32, #tpu.memory_space<vmem>>, %arg5: memref<2x256xf32, #tpu.memory_space<vmem>>) attributes {dimension_semantics = [#tpu.dimension_semantics<arbitrary>], iteration_bounds = array<i64: 25>, scalar_prefetch = 0 : i64, scratch_operands = 1 : i64, tpu.core_type = #tpu.core_type<tc>, window_params = [{transform_indices = @transform_0, window_bounds = array<i64: 400, 256>}, {pipeline_mode = #tpu.pipeline_mode<synchronous>, transform_indices = @transform_1, window_bounds = array<i64: 256, 256>}, {transform_indices = @transform_2, window_bounds = array<i64: 400, 256>}, {pipeline_mode = #tpu.pipeline_mode<synchronous>, transform_indices = @transform_3, window_bounds = array<i64: 2, 256>}]} {
    %get3A = arith.constant 0 : index
    %get3A_0 = arith.constant 0 : index
    %get3A_1 = vector.load %arg1[%get3A, %get3A_0] : memref<400x256xf32, #tpu.memory_space<vmem>>, vector<400x256xf32>
    %get3A_2 = arith.constant 0 : index
    %get3A_3 = arith.constant 0 : index
    %get3A_4 = vector.load %arg2[%get3A_2, %get3A_3] : memref<256x256xf32, #tpu.memory_space<vmem>>, vector<256x256xf32>
    %dot_general3A = arith.constant dense<0.000000e+00> : vector<400x256xf32>
    %dot_general3A_5 = tpu.matmul %get3A_1, %get3A_4, %dot_general3A {dimension_numbers = #tpu.dot_dimension_numbers<[1], [0], [0], [1], [0, 0, 1, 1], [], []>, transpose_lhs_hint = false} : vector<400x256xf32>, vector<256x256xf32>, vector<400x256xf32> -> vector<400x256xf32>
    %swap3A = arith.constant 0 : index
    %swap3A_6 = arith.constant 0 : index
    %swap3A_7 = vector.load %arg3[%swap3A, %swap3A_6] : memref<400x256xf32, #tpu.memory_space<vmem>>, vector<400x256xf32>
    tpu.vector_store %arg3[%swap3A, %swap3A_6], %dot_general3A_5 {strides = array<i32>} : memref<400x256xf32, #tpu.memory_space<vmem>>, vector<400x256xf32>,
    %reduce_sum3A = arith.constant dense<0.000000e+00> : vector<256xf32>
    %reduce_sum3A_8 = vector.multi_reduction <add>, %dot_general3A_5, %reduce_sum3A [0] : vector<400x256xf32> to vector<256xf32>
    %broadcast_in_dim3A = vector.shape_cast %reduce_sum3A_8 : vector<256xf32> to vector<1x256xf32>
    %mul3A = arith.mulf %dot_general3A_5, %dot_general3A_5 : vector<400x256xf32>
    %reduce_sum3A_9 = arith.constant dense<0.000000e+00> : vector<256xf32>
    %reduce_sum3A_10 = vector.multi_reduction <add>, %mul3A, %reduce_sum3A_9 [0] : vector<400x256xf32> to vector<256xf32>
    %broadcast_in_dim3A_11 = vector.shape_cast %reduce_sum3A_10 : vector<256xf32> to vector<1x256xf32>
    %concatenate3A = tpu.concatenate %broadcast_in_dim3A, %broadcast_in_dim3A_11 in 0 : vector<1x256xf32>, vector<1x256xf32> -> vector<2x256xf32>
    %eq3A = arith.constant 0 : i32
    %eq3A_12 = arith.cmpi eq, %arg0, %eq3A : i32
    %convert_element_type3A = arith.extui %eq3A_12 : i1 to i32
    %cond3A = arith.constant 0 : i32
    %cond3A_13 = arith.cmpi ne, %convert_element_type3A, %cond3A : i32
    scf.if %cond3A_13 {
      %broadcast_in_dim3A_25 = arith.constant 0.000000e+00 : f32
      %broadcast_in_dim3A_26 = vector.broadcast %broadcast_in_dim3A_25 : f32 to vector<2x256xf32>
      %swap3A_27 = arith.constant 0 : index
      %swap3A_28 = arith.constant 0 : index
      %swap3A_29 = vector.load %arg5[%swap3A_27, %swap3A_28] : memref<2x256xf32, #tpu.memory_space<vmem>>, vector<2x256xf32>
      tpu.vector_store %arg5[%swap3A_27, %swap3A_28], %broadcast_in_dim3A_26 {strides = array<i32>} : memref<2x256xf32, #tpu.memory_space<vmem>>, vector<2x256xf32>,
    } else {
    }
    %get3A_14 = arith.constant 0 : index
    %get3A_15 = arith.constant 0 : index
    %get3A_16 = vector.load %arg5[%get3A_14, %get3A_15] : memref<2x256xf32, #tpu.memory_space<vmem>>, vector<2x256xf32>
    %add3A = arith.addf %get3A_16, %concatenate3A : vector<2x256xf32>
    %swap3A_17 = arith.constant 0 : index
    %swap3A_18 = arith.constant 0 : index
    %swap3A_19 = vector.load %arg5[%swap3A_17, %swap3A_18] : memref<2x256xf32, #tpu.memory_space<vmem>>, vector<2x256xf32>
    tpu.vector_store %arg5[%swap3A_17, %swap3A_18], %add3A {strides = array<i32>} : memref<2x256xf32, #tpu.memory_space<vmem>>, vector<2x256xf32>,
    %eq3A_20 = arith.constant 24 : i32
    %eq3A_21 = arith.cmpi eq, %arg0, %eq3A_20 : i32
    %convert_element_type3A_22 = arith.extui %eq3A_21 : i1 to i32
    %cond3A_23 = arith.constant 0 : i32
    %cond3A_24 = arith.cmpi ne, %convert_element_type3A_22, %cond3A_23 : i32
    scf.if %cond3A_24 {
      %get3A_25 = arith.constant 0 : index
      %get3A_26 = arith.constant 0 : index
      %get3A_27 = vector.load %arg5[%get3A_25, %get3A_26] : memref<2x256xf32, #tpu.memory_space<vmem>>, vector<2x256xf32>
      %swap3A_28 = arith.constant 0 : index
      %swap3A_29 = arith.constant 0 : index
      %swap3A_30 = vector.load %arg4[%swap3A_28, %swap3A_29] : memref<2x256xf32, #tpu.memory_space<vmem>>, vector<2x256xf32>
      tpu.vector_store %arg4[%swap3A_28, %swap3A_29], %get3A_27 {strides = array<i32>} : memref<2x256xf32, #tpu.memory_space<vmem>>, vector<2x256xf32>,
    } else {
    }
    return
  }
  func.func @transform_0(%arg0: i32) -> (i32, i32) {
    %c0_i32 = arith.constant 0 : i32
    %c0_i32_0 = arith.constant 0 : i32
    return %arg0, %c0_i32 : i32, i32
  }
  func.func @transform_1(%arg0: i32) -> (i32, i32) {
    %c0_i32 = arith.constant 0 : i32
    %c0_i32_0 = arith.constant 0 : i32
    %c0_i32_1 = arith.constant 0 : i32
    return %c0_i32, %c0_i32_0 : i32, i32
  }
  func.func @transform_2(%arg0: i32) -> (i32, i32) {
    %c0_i32 = arith.constant 0 : i32
    %c0_i32_0 = arith.constant 0 : i32
    return %arg0, %c0_i32 : i32, i32
  }
  func.func @transform_3(%arg0: i32) -> (i32, i32) {
    %c0_i32 = arith.constant 0 : i32
    %c0_i32_0 = arith.constant 0 : i32
    %c0_i32_1 = arith.constant 0 : i32
    return %c0_i32, %c0_i32_0 : i32, i32
  }
}

module attributes {stable_mosaic.version = 14 : i64} {
  func.func @_bn2_body(%arg0: i32, %arg1: memref<2x400x128xf32, #tpu.memory_space<vmem>>, %arg2: memref<2x2x128xf32, #tpu.memory_space<vmem>>, %arg3: memref<400x256xf32, #tpu.memory_space<vmem>>) attributes {dimension_semantics = [#tpu.dimension_semantics<arbitrary>], iteration_bounds = array<i64: 25>, scalar_prefetch = 0 : i64, scratch_operands = 0 : i64, tpu.core_type = #tpu.core_type<tc>, window_params = [{transform_indices = @transform_0, window_bounds = array<i64: 2, 400, 128>}, {pipeline_mode = #tpu.pipeline_mode<synchronous>, transform_indices = @transform_1, window_bounds = array<i64: 2, 2, 128>}, {transform_indices = @transform_2, window_bounds = array<i64: 400, 256>}]} {
    %get3A = arith.constant 0 : index
    %get3A_0 = arith.constant 0 : index
    %get3A_1 = arith.constant 0 : index
    %get3A_2 = vector.load %arg1[%get3A, %get3A_0, %get3A_1] : memref<2x400x128xf32, #tpu.memory_space<vmem>>, vector<2x400x128xf32>
    %get3A_3 = arith.constant 0 : index
    %get3A_4 = arith.constant 0 : index
    %get3A_5 = arith.constant 0 : index
    %get3A_6 = vector.load %arg2[%get3A_3, %get3A_4, %get3A_5] : memref<2x2x128xf32, #tpu.memory_space<vmem>>, vector<1x2x128xf32>
    %get3A_7 = vector.shape_cast %get3A_6 : vector<1x2x128xf32> to vector<2x128xf32>
    %get3A_8 = arith.constant 1 : index
    %get3A_9 = arith.constant 0 : index
    %get3A_10 = arith.constant 0 : index
    %get3A_11 = vector.load %arg2[%get3A_8, %get3A_9, %get3A_10] : memref<2x2x128xf32, #tpu.memory_space<vmem>>, vector<1x2x128xf32>
    %get3A_12 = vector.shape_cast %get3A_11 : vector<1x2x128xf32> to vector<2x128xf32>
    %broadcast_in_dim3A = vector.shape_cast %get3A_7 : vector<2x128xf32> to vector<2x1x128xf32>
    %mul3A = vector.broadcast %broadcast_in_dim3A : vector<2x1x128xf32> to vector<2x400x128xf32>
    %mul3A_13 = arith.mulf %get3A_2, %mul3A : vector<2x400x128xf32>
    %broadcast_in_dim3A_14 = vector.shape_cast %get3A_12 : vector<2x128xf32> to vector<2x1x128xf32>
    %add3A = vector.broadcast %broadcast_in_dim3A_14 : vector<2x1x128xf32> to vector<2x400x128xf32>
    %add3A_15 = arith.addf %mul3A_13, %add3A : vector<2x400x128xf32>
    %slice3A = vector.extract_strided_slice %add3A_15 {offsets = [0, 0, 0], sizes = [1, 400, 128], strides = [1, 1, 1]} : vector<2x400x128xf32> to vector<1x400x128xf32>
    %squeeze3A = vector.shape_cast %slice3A : vector<1x400x128xf32> to vector<400x128xf32>
    %swap3A = arith.constant 0 : index
    %swap3A_16 = arith.constant 0 : index
    %swap3A_17 = vector.load %arg3[%swap3A, %swap3A_16] : memref<400x256xf32, #tpu.memory_space<vmem>>, vector<400x128xf32>
    tpu.vector_store %arg3[%swap3A, %swap3A_16], %squeeze3A {strides = array<i32>} : memref<400x256xf32, #tpu.memory_space<vmem>>, vector<400x128xf32>,
    %slice3A_18 = vector.extract_strided_slice %add3A_15 {offsets = [1, 0, 0], sizes = [1, 400, 128], strides = [1, 1, 1]} : vector<2x400x128xf32> to vector<1x400x128xf32>
    %squeeze3A_19 = vector.shape_cast %slice3A_18 : vector<1x400x128xf32> to vector<400x128xf32>
    %swap3A_20 = arith.constant 0 : index
    %swap3A_21 = arith.constant 128 : index
    %swap3A_22 = vector.load %arg3[%swap3A_20, %swap3A_21] : memref<400x256xf32, #tpu.memory_space<vmem>>, vector<400x128xf32>
    tpu.vector_store %arg3[%swap3A_20, %swap3A_21], %squeeze3A_19 {strides = array<i32>} : memref<400x256xf32, #tpu.memory_space<vmem>>, vector<400x128xf32>,
    return
  }
  func.func @transform_0(%arg0: i32) -> (i32, i32, i32) {
    %c0_i32 = arith.constant 0 : i32
    %c0_i32_0 = arith.constant 0 : i32
    %c0_i32_1 = arith.constant 0 : i32
    return %c0_i32, %arg0, %c0_i32_0 : i32, i32, i32
  }
  func.func @transform_1(%arg0: i32) -> (i32, i32, i32) {
    %c0_i32 = arith.constant 0 : i32
    %c0_i32_0 = arith.constant 0 : i32
    %c0_i32_1 = arith.constant 0 : i32
    %c0_i32_2 = arith.constant 0 : i32
    return %c0_i32, %c0_i32_0, %c0_i32_1 : i32, i32, i32
  }
  func.func @transform_2(%arg0: i32) -> (i32, i32) {
    %c0_i32 = arith.constant 0 : i32
    %c0_i32_0 = arith.constant 0 : i32
    return %arg0, %c0_i32 : i32, i32
  }
}

module attributes {stable_mosaic.version = 14 : i64} {
  func.func @_stats2_body(%arg0: i32, %arg1: memref<2x400x128xf32, #tpu.memory_space<vmem>>, %arg2: memref<2x2x128xf32, #tpu.memory_space<vmem>>, %arg3: memref<2x2x128xf32, #tpu.memory_space<vmem>>) attributes {dimension_semantics = [#tpu.dimension_semantics<arbitrary>], iteration_bounds = array<i64: 25>, scalar_prefetch = 0 : i64, scratch_operands = 1 : i64, tpu.core_type = #tpu.core_type<tc>, window_params = [{transform_indices = @transform_0, window_bounds = array<i64: 2, 400, 128>}, {pipeline_mode = #tpu.pipeline_mode<synchronous>, transform_indices = @transform_1, window_bounds = array<i64: 2, 2, 128>}]} {
    %get3A = arith.constant 0 : index
    %get3A_0 = arith.constant 0 : index
    %get3A_1 = arith.constant 0 : index
    %get3A_2 = vector.load %arg1[%get3A, %get3A_0, %get3A_1] : memref<2x400x128xf32, #tpu.memory_space<vmem>>, vector<2x400x128xf32>
    %reduce_sum3A = arith.constant dense<0.000000e+00> : vector<2x128xf32>
    %reduce_sum3A_3 = vector.multi_reduction <add>, %get3A_2, %reduce_sum3A [1] : vector<2x400x128xf32> to vector<2x128xf32>
    %mul3A = arith.mulf %get3A_2, %get3A_2 : vector<2x400x128xf32>
    %reduce_sum3A_4 = arith.constant dense<0.000000e+00> : vector<2x128xf32>
    %reduce_sum3A_5 = vector.multi_reduction <add>, %mul3A, %reduce_sum3A_4 [1] : vector<2x400x128xf32> to vector<2x128xf32>
    %stack3A = vector.shape_cast %reduce_sum3A_3 : vector<2x128xf32> to vector<1x2x128xf32>
    %stack3A_6 = vector.shape_cast %reduce_sum3A_5 : vector<2x128xf32> to vector<1x2x128xf32>
    %stack3A_7 = tpu.concatenate %stack3A, %stack3A_6 in 0 : vector<1x2x128xf32>, vector<1x2x128xf32> -> vector<2x2x128xf32>
    %eq3A = arith.constant 0 : i32
    %eq3A_8 = arith.cmpi eq, %arg0, %eq3A : i32
    %convert_element_type3A = arith.extui %eq3A_8 : i1 to i32
    %cond3A = arith.constant 0 : i32
    %cond3A_9 = arith.cmpi ne, %convert_element_type3A, %cond3A : i32
    scf.if %cond3A_9 {
      %broadcast_in_dim3A = arith.constant 0.000000e+00 : f32
      %broadcast_in_dim3A_22 = vector.broadcast %broadcast_in_dim3A : f32 to vector<2x2x128xf32>
      %swap3A_23 = arith.constant 0 : index
      %swap3A_24 = arith.constant 0 : index
      %swap3A_25 = arith.constant 0 : index
      %swap3A_26 = vector.load %arg3[%swap3A_23, %swap3A_24, %swap3A_25] : memref<2x2x128xf32, #tpu.memory_space<vmem>>, vector<2x2x128xf32>
      tpu.vector_store %arg3[%swap3A_23, %swap3A_24, %swap3A_25], %broadcast_in_dim3A_22 {strides = array<i32>} : memref<2x2x128xf32, #tpu.memory_space<vmem>>, vector<2x2x128xf32>,
    } else {
    }
    %get3A_10 = arith.constant 0 : index
    %get3A_11 = arith.constant 0 : index
    %get3A_12 = arith.constant 0 : index
    %get3A_13 = vector.load %arg3[%get3A_10, %get3A_11, %get3A_12] : memref<2x2x128xf32, #tpu.memory_space<vmem>>, vector<2x2x128xf32>
    %add3A = arith.addf %get3A_13, %stack3A_7 : vector<2x2x128xf32>
    %swap3A = arith.constant 0 : index
    %swap3A_14 = arith.constant 0 : index
    %swap3A_15 = arith.constant 0 : index
    %swap3A_16 = vector.load %arg3[%swap3A, %swap3A_14, %swap3A_15] : memref<2x2x128xf32, #tpu.memory_space<vmem>>, vector<2x2x128xf32>
    tpu.vector_store %arg3[%swap3A, %swap3A_14, %swap3A_15], %add3A {strides = array<i32>} : memref<2x2x128xf32, #tpu.memory_space<vmem>>, vector<2x2x128xf32>,
    %eq3A_17 = arith.constant 24 : i32
    %eq3A_18 = arith.cmpi eq, %arg0, %eq3A_17 : i32
    %convert_element_type3A_19 = arith.extui %eq3A_18 : i1 to i32
    %cond3A_20 = arith.constant 0 : i32
    %cond3A_21 = arith.cmpi ne, %convert_element_type3A_19, %cond3A_20 : i32
    scf.if %cond3A_21 {
      %get3A_22 = arith.constant 0 : index
      %get3A_23 = arith.constant 0 : index
      %get3A_24 = arith.constant 0 : index
      %get3A_25 = vector.load %arg3[%get3A_22, %get3A_23, %get3A_24] : memref<2x2x128xf32, #tpu.memory_space<vmem>>, vector<2x2x128xf32>
      %swap3A_26 = arith.constant 0 : index
      %swap3A_27 = arith.constant 0 : index
      %swap3A_28 = arith.constant 0 : index
      %swap3A_29 = vector.load %arg2[%swap3A_26, %swap3A_27, %swap3A_28] : memref<2x2x128xf32, #tpu.memory_space<vmem>>, vector<2x2x128xf32>
      tpu.vector_store %arg2[%swap3A_26, %swap3A_27, %swap3A_28], %get3A_25 {strides = array<i32>} : memref<2x2x128xf32, #tpu.memory_space<vmem>>, vector<2x2x128xf32>,
    } else {
    }
    return
  }
  func.func @transform_0(%arg0: i32) -> (i32, i32, i32) {
    %c0_i32 = arith.constant 0 : i32
    %c0_i32_0 = arith.constant 0 : i32
    %c0_i32_1 = arith.constant 0 : i32
    return %c0_i32, %arg0, %c0_i32_0 : i32, i32, i32
  }
  func.func @transform_1(%arg0: i32) -> (i32, i32, i32) {
    %c0_i32 = arith.constant 0 : i32
    %c0_i32_0 = arith.constant 0 : i32
    %c0_i32_1 = arith.constant 0 : i32
    %c0_i32_2 = arith.constant 0 : i32
    return %c0_i32, %c0_i32_0, %c0_i32_1 : i32, i32, i32
  }
}

</mosaic_0001>

<sc_bundles>
// kernel: kernel.7.cloned.1.call-start
scs
__scs_entry_jumppad:
0x0: {  	(pc) =	sbr.rel $0x88, $3  }
0x1: {  	(tag) =	ssettag $0x0;
	lr =	simm.s32 $0x1  }
0x2: {  	[smem:$0x3F99] =	sst lr;
	_ =	strace $0xD0000000  }
0x3: {  	_ = 	snop  }
0x4: {  	_ = 	snop  }
0x5: {  	_ = 	snop  }
0x6: {  	_ = 	snop  }
0x7: {  	_ = 	snop  }
__scs_overlays_trampoline_lowered:
0x8: {  	[smem:$0x3FA8] =	sst s0  }
0x9: {  	[smem:$0x3FA9] =	sst s1  }
0xa: {  	[smem:$0x3FAA] =	sst s2  }
0xb: {  	[smem:$0x3FAB] =	sst s3  }
0xc: {  	[smem:$0x3FAC] =	sst s4  }
0xd: {  	[smem:$0x3FAD] =	sst s5  }
0xe: {  	[smem:$0x3FAE] =	sst s6  }
0xf: {  	[smem:$0x3FAF] =	sst s7  }
0x10: {  	[smem:$0x3FB0] =	sst s8  }
0x11: {  	[smem:$0x3FB1] =	sst s9;
	s0 =	simm.s32 @!p0 $0x0  }
0x12: {  	s1 =	sld [smem:$0x3F97];
	s0 =	simm.s32 @p0 $0x1  }
0x13: {  	[smem:$0x3FB2] =	sst s0;
	s0 =	simm.s32 @!p1 $0x0  }
0x14: {  	s2 =	sld [smem:$0x3F96];
	s0 =	simm.s32 @p1 $0x1  }
0x15: {  	[smem:$0x3FB3] =	sst s0;
	s0 =	simm.s32 @!p2 $0x0  }
0x16: {  	s3 =	sld [smem:$0x3FDB];
	s0 =	simm.s32 @p2 $0x1  }
0x17: {  	s4 =	simm.s32 $0x1BF5;
	[smem:$0x3FB5] =	sst s0  }
0x18: {  	s0 =	sld [smem:$0x3F98];
	_ =	swait.ge [sflag:s4], $0x0  }
0x19: {  	s7 =	sld [smem:$0x3F99]  }
0x1a: {  	s8 =	sadd.s32 $0xFFFFE003, lr  }
0x1b: {  	s9 =	sadd.s32 $0xFFFFFEF7, lr;
	s5 =	simm.s32 $0xFFFFFFFF;
	p2 =	slt.u32 s8, $0xFFFFF086  }
0x1c: {  	p1 =	slt.u32 s9, $0xF7A;
	s5 =	simm.s32 @!p2 $0x0  }
0x1d: {  	s5 =	simm.s32 @p1 $0x1;
	p0 =	seq.s32 s7, s2  }
0x1e: {  	s7 =	smul.u32 @!p0 $0xF7A, s2;
	p2 =	seq.s32 @!p0 s5, $0x0  }
0x1f: {  	s9 =	smul.u32 $0xF7A, s1;
	s8 =	simm.s32 @!p0 $0x1BF5;
	p2 =	por !p2, p0  }
0x20: {  	[sflag:s8] =	ssyncset.s32 @!p0 $0xFFFFF086;
	s6 =	sadd.s32 @!p0 s3, s7;
	s7 =	simm.s32 @!p0 $0x108  }
0x21: {  	s3 =	sadd.s32 s3, s9;
	s6 =	sadd.s32 @!p0 $0x88, s6;
	s7 =	simm.s32 @p2 $0x1082  }
0x22: {  	[simem:s7], [sflag:s8] =	dma.local @!p0 [hbm:s6], $0xF7A  }
0x23: {  	s9 =	sor.u32 $0xD0000000, s2;
	s6 =	simm.s32 $0x108;
	_ =	swait.ge @!p0 [sflag:s8], $0x0  }
0x24: {  	s3 =	sadd.s32 $0x88, s3;
	s6 =	simm.s32 @!p1 $0x1082;
	[sflag:s4] =	ssyncset.s32 $0xFFFFF086  }
0x25: {  	[simem:s6], [sflag:s4] =	dma.local [hbm:s3], $0xF7A  }
0x26: {  	[smem:$0x3F99] =	sst s1;
	(tag) =	ssettag s2;
	_ =	strace s9  }
0x27: {  	s1 =	sld [smem:$0x3FA9]  }
0x28: {  	s2 =	sld [smem:$0x3FAA]  }
0x29: {  	s4 =	sld [smem:$0x3FAC]  }
0x2a: {  	p0 =	seq.s32 s5, $0x0;
	s5 =	sld [smem:$0x3FAD]  }
0x2b: {  	s6 =	sld [smem:$0x3FAE]  }
0x2c: {  	s7 =	sld [smem:$0x3FAF]  }
0x2d: {  	s3 =	simm.s32 $0x108;
	s8 =	sld [smem:$0x3FB0]  }
0x2e: {  	s3 =	simm.s32 @!p0 $0x1082;
	s9 =	sld [smem:$0x3FB1]  }
0x2f: {  	lr =	sadd.s32 s0, s3;
	s0 =	sld [smem:$0x3FA8]  }
0x30: {  	s3 =	sld [smem:$0x3FAB]  }
0x31: {  	[smem:$0x3FB4] =	sst s10  }
0x32: {  	s10 =	sld [smem:$0x3FB2];
	_ =	sdelay $0x3  }
0x33: {  	p0 =	seq.s32 s10, $0x1;
	s10 =	sld [smem:$0x3FB4];
	_ =	sdelay $0x3  }
0x34: {  	[smem:$0x3FB4] =	sst s10  }
0x35: {  	s10 =	sld [smem:$0x3FB3];
	_ =	sdelay $0x3  }
0x36: {  	p1 =	seq.s32 s10, $0x1;
	s10 =	sld [smem:$0x3FB4];
	_ =	sdelay $0x3  }
0x37: {  	[smem:$0x3FB4] =	sst s10  }
0x38: {  	s10 =	sld [smem:$0x3FB5]  }
0x39: {  	_ = 	snop;
	(pc) =	sbr.ind lr, $3  }
0x3a: {  	_ = 	snop  }
0x3b: {  	_ = 	snop  }
0x3c: {  	p2 =	seq.s32 s10, $0x1;
	s10 =	sld [smem:$0x3FB4]  }
0x3d: {  	_ =	shalt  }
0x3e: {  	_ =	shalt  }
0x3f: {  	_ =	shalt  }
0x40: {  	_ =	shalt  }
0x41: {  	_ =	shalt  }
0x42: {  	_ =	shalt  }
0x43: {  	_ =	shalt  }
0x44: {  	_ =	shalt  }
0x45: {  	_ =	shalt  }
0x46: {  	_ =	shalt  }
0x47: {  	_ =	shalt  }
0x48: {  	_ =	shalt  }
0x49: {  	_ =	shalt  }
0x4a: {  	_ =	shalt  }
0x4b: {  	_ =	shalt  }
0x4c: {  	_ =	shalt  }
0x4d: {  	_ =	shalt  }
0x4e: {  	_ =	shalt  }
0x4f: {  	_ =	shalt  }
0x50: {  	_ =	shalt  }
0x51: {  	_ =	shalt  }
0x52: {  	_ =	shalt  }
0x53: {  	_ =	shalt  }
0x54: {  	_ =	shalt  }
0x55: {  	_ =	shalt  }
0x56: {  	_ =	shalt  }
0x57: {  	_ =	shalt  }
0x58: {  	_ =	shalt  }
0x59: {  	_ =	shalt  }
0x5a: {  	_ =	shalt  }
0x5b: {  	_ =	shalt  }
0x5c: {  	_ =	shalt  }
0x5d: {  	_ =	shalt  }
0x5e: {  	_ =	shalt  }
0x5f: {  	_ =	shalt  }
0x60: {  	_ =	shalt  }
0x61: {  	_ =	shalt  }
0x62: {  	_ =	shalt  }
0x63: {  	_ =	shalt  }
0x64: {  	_ =	shalt  }
0x65: {  	_ =	shalt  }
0x66: {  	_ =	shalt  }
0x67: {  	_ =	shalt  }
0x68: {  	_ =	shalt  }
0x69: {  	_ =	shalt  }
0x6a: {  	_ =	shalt  }
0x6b: {  	_ =	shalt  }
0x6c: {  	_ =	shalt  }
0x6d: {  	_ =	shalt  }
0x6e: {  	_ =	shalt  }
0x6f: {  	_ =	shalt  }
0x70: {  	_ =	shalt  }
0x71: {  	_ =	shalt  }
0x72: {  	_ =	shalt  }
0x73: {  	_ =	shalt  }
0x74: {  	_ =	shalt  }
0x75: {  	_ =	shalt  }
0x76: {  	_ =	shalt  }
0x77: {  	_ =	shalt  }
0x78: {  	_ =	shalt  }
0x79: {  	_ =	shalt  }
0x7a: {  	_ =	shalt  }
0x7b: {  	_ =	shalt  }
0x7c: {  	_ =	shalt  }
0x7d: {  	_ =	shalt  }
0x7e: {  	_ =	shalt  }
0x7f: {  	_ =	shalt  }
0x80: {  	_ =	shalt  }
0x81: {  	_ =	shalt  }
0x82: {  	_ =	shalt  }
0x83: {  	_ =	shalt  }
0x84: {  	_ =	shalt  }
0x85: {  	_ =	shalt  }
0x86: {  	_ =	shalt  }
0x87: {  	_ =	shalt  }
.Lfunc_end0:
.L_simem_size_0:
called_computation_lowered:
.L_overlay_start_0:
0x88: {  	s2 =	sld [smem:$0x3FD9]  }
0x89: {  	s3 =	sld [smem:$0x3FFE];
	_ =	sdelay $0x1  }
0x8a: {  	s1 =	srdreg.scid  }
0x8b: {  	s0 =	sand.u32 $0x1, s1  }
0x8c: {  	s17 =	sshll.u32 s0, $0xA;
	s2 =	sadd.s32 s3, s2  }
0x8d: {  	s2 =	sadd.s32 s2, s17  }
0x8e: {  	[smem:$0x3FC0] =	sst s2  }
0x8f: {  	_ = 	snop  }
0x90: {  	s2 =	sld [smem:$0x3FD0];
	(tm) =	ssettm $0x1  }
0x91: {  	s18 =	sld [smem:$0x3FFB];
	_ =	sdelay $0x3  }
0x92: {  	_ =	strace s18  }
0x93: {  	s3 =	sld [smem:$0x3FFC];
	_ =	sdelay $0x3  }
0x94: {  	_ =	strace s3  }
0x95: {  	s3 =	sld [smem:$0x3FFD];
	_ =	sdelay $0x3  }
0x96: {  	_ =	strace s3  }
0x97: {  	_ =	strace $0x8FFFFFFF  }
0x98: {  	s19 =	sld [smem:$0x3FDB];
	_ =	sdelay $0x1  }
0x99: {  	s4 =	simm.s32 $_scs_section_size  }
0x9a: {  	s5 =	simm.s32 $_size__tile_overlayer_lowered;
	s6 =	simm.s32 $_tile_overlayer_lowered  }
0x9b: {  	s22 =	simm.s32 $0x1BFF;
	s21 =	sshll.u32 s6, $0x1;
	s3 =	sadd.s32 s4, s19  }
0x9c: {  	s7 =	simm.s32 $0x0;
	s20 =	sshll.u32 s5, $0x1;
	s5 =	sadd.s32 s21, s3  }
0x9d: {  	[timem:s7], [sflag:s22] =	dma.local [hbm:s5], s20  }
0x9e: {  	_ =	swait.ge [sflag:s22], s20  }
0x9f: {  	s4 =	ssub.s32 $0x0, s20;
	[sflag:s22] =	ssyncset.done $0x0  }
0xa0: {  	[sflag:s22] =	ssyncadd.s32 s4;
	_ =	sdelay $0x1  }
0xa1: {  	s23 =	simm.s32 $0x1B8B  }
0xa2: {  	_ =	swait.ge [sflag:s23], $0x1  }
0xa3: {  	[sflag:s23] =	ssyncset.done $0x0  }
0xa4: {  	s25 =	simm.s32 $0x1B8E;
	s24 =	sld [smem:$0x3FFE];
	[sflag:s23] =	ssyncadd.s32 $0xFFFFFFFF  }
0xa5: {  	s26 =	simm.s32 $execute0_lowered;
	[smem:$0x3FD2] =	sst s25  }
0xa6: {  	s5 =	sshll.u32 s26, $0x1;
	_ =	strace $0x80000046;
	[dreg:$0x1] =	wrdreg $0xFFFFFFFF  }
0xa7: {  	s28 =	simm.s32 $_size_execute0_lowered;
	s3 =	sadd.s32 s3, s5;
	[dreg:$0x0] =	wrdreg $0x0  }
0xa8: {  	s5 =	sshll.u32 s28, $0x1;
	[dreg:$0x2] =	wrdreg s3  }
0xa9: {  	[dreg:$0x3] =	wrdreg s5  }
0xaa: {  	[dreg:$0x4] =	wrdreg $0xC0  }
0xab: {  	_ =	task [dreg:s7], $0x5FFFF  }
0xac: {  	[dreg:$0x1] =	wrdreg $0xFFFFFFFF  }
0xad: {  	[dreg:$0x0] =	wrdreg $0x60  }
0xae: {  	[dreg:$0x2] =	wrdreg s2  }
0xaf: {  	[dreg:$0x3] =	wrdreg s24  }
0xb0: {  	[dreg:$0x4] =	wrdreg $0xC4000  }
0xb1: {  	[dreg:$0x5] =	wrdreg $0x9  }
0xb2: {  	_ =	task.clear_ibuf [dreg:s7], $0x6FFFF;
	_ =	strace $0x90000046  }
0xb3: {  	s29 =	simm.s32 $0x9;
	_ =	strace $0x80000048  }
0xb4: {  	_ =	swait.ge [sflag:s29], $0x1  }
0xb5: {  	[sflag:s29] =	ssyncadd.s32 $0xFFFFFFFF  }
0xb6: {  	_ =	strace $0x90000048  }
0xb7: {  	_ =	sfence  }
0xb8: {  	s30 =	sld [smem:$0x0];
	_ =	sdelay $0x2  }
0xb9: {  	s31 =	sshll.u32 s1, $0xD;
	s1 =	sshrl.u32 s1, $0x2  }
0xba: {  	s3 =	sand.u32 $0x4000, s31;
	s1 =	sadd.s32 s1, s30  }
0xbb: {  	s0 =	sor.u32 s3, s0;
	s1 =	sshll.u32 s1, $0x11  }
0xbc: {  	s0 =	sor.u32 s1, s0  }
0xbd: {  	s0 =	sadd.s32 $0x8F2B, s0  }
0xbe: {  	[sflag:s0] =	ssyncadd.remote.s32 $0x1  }
0xbf: {  	_ =	sfence.sel $0xFFFF  }
0xc0: {  	[dreg:$0x0] =	wrdreg $0xFFFFFFFF;
	(pc) =	sbr.abs _section_cstart, $3  }
0xc1: {  	[dreg:$0x1] =	wrdreg $0xFFFFFFFF  }
0xc2: {  	_ =	task.clear_ibuf [dreg:s7], $0x2FFFF;
	_ =	strace $0x9FFFFFFF  }
0xc3: {  	(tm) =	ssettm $0x7FFFFFFF  }
tec
execute0_lowered:
.L_overlay_start_1:
0x0: {  	(tag) =	ssettag $0x1  }
0x1: {  	s1 =	rddreg [dreg:$0x0]  }
0x2: {  	s0 =	rddreg [dreg:$0x1]  }
0x3: {  	s2 =	srdreg.scid;
	s13 =	stileid.u32  }
0x4: {  	s3 =	rddreg [dreg:$0x2];
	s4 =	simm.s32 $0x0;
	s12 =	simm.s32 $0x6A00  }
0x5: {  	s31 =	simm.s32 $0x300;
	s29 =	simm.s32 $0xE;
	s28 =	simm.s32 $0x4  }
0x6: {  	s15 =	simm.s32 $0x140;
	s16 =	simm.s32 $0x2;
	s6 =	smul.u32 $0x280, s13  }
0x7: {  	s17 =	simm.s32 $0x8;
	s2 =	sand.u32 $0x1, s2;
	s8 =	smul.u32 $0x50000, s13  }
0x8: {  	[smem:$0x7FF] =	sst s4;
	s5 =	sadd.s32 $0xBC00, s0;
	s10 =	smul.u32 $0x2880, s13  }
0x9: {  	s9 =	sadd.s32 $0x11400, s0;
	s11 =	sadd.s32 $0x12C000, s3;
	s25 =	smul.u32 $0x510, s13  }
0xa: {  	s7 =	smul.u32 $0x2710, s2;
	_ =	strace $0x80000047;
	s20 =	ssub.s32 $0x2, s2  }
0xb: {  	[dreg:$0x4] =	wrdreg s9;
	p0 =	seq.s32 s2, $0x0;
	s21 =	sshrl.u32 s20, $0x1  }
0xc: {  	s8 =	sshrl.u32 s8, $0x2;
	s10 =	sshrl.u32 s10, $0x3;
	s12 =	simm.s32 @!p0 $0x1800  }
0xd: {  	p0 =	seq.s32 s13, $0xF;
	s6 =	sadd.s32 s6, s7;
	s9 =	ssub.s32 s20, s21  }
0xe: {  	s7 =	smul.u32 $0x2C00, s13;
	s8 =	sadd.s32 s8, s3;
	s21 =	sshrl.u32 @p0 s11, $0x3  }
0xf: {  	s20 =	simm.s32 $0x80;
	s11 =	simm.s32 $0xC;
	s6 =	sshll.u32 s6, $0x4  }
0x10: {  	s9 =	smax.u32 s9, $0x1;
	s30 =	sshrl.u32 @!p0 s8, $0x3;
	s8 =	simm.s32 $0xA400  }
0x11: {  	[dreg:$0xe] =	wrdreg s21;
	s6 =	sadd.s32 s6, s0;
	s22 =	sshrl.u32 s7, $0x3  }
0x12: {  	s0 =	sadd.s32 s12, s0;
	[dreg:$0xa] =	wrdreg s9;
	s9 =	simm.s32 $0xA  }
0x13: {  	s12 =	simm.s32 $0x5;
	[dreg:$0x10] =	wrdreg s30;
	s2 =	sadd.s32 s5, s22  }
0x14: {  	s23 =	sadd.s32 $0x13C00, s6;
	s24 =	sadd.s32 s0, s10;
	[dreg:$0x5] =	wrdreg s2  }
0x15: {  	s0 =	sadd.s32 s25, s0;
	s22 =	simm.s32 $0x100;
	[dreg:$0x8] =	wrdreg s23  }
0x16: {  	s25 =	simm.s32 $0x40;
	s14 =	sadd.s32 $0x10, s2;
	[dreg:$0x9] =	wrdreg s24  }
0x17: {  	s10 =	simm.s32 $0x200;
	s2 =	sadd.s32 $0x20, s2;
	[dreg:$0x6] =	wrdreg s14  }
0x18: {  	s26 =	sadd.s32 $0x10, s24;
	s6 =	sadd.s32 $0x20, s24;
	[dreg:$0x7] =	wrdreg s2  }
.Ltmp0:
0x19: {  	s0 =	sadd.s32 $0x50, s0;
	[dreg:$0xb] =	wrdreg s26;
	(pc) =	sbr.rel .LBB2_1-.Ltmp0, $4  }
0x1a: {  	s24 =	simm.s32 $0x3;
	[dreg:$0xc] =	wrdreg s6;
	s2 =	sshll.u32 @!p0 s13, $0x6  }
0x1b: {  	[dreg:$0xd] =	wrdreg s0;
	s26 =	simm.s32 $0x400;
	s0 =	simm.s32 $0x1  }
0x1c: {  	s13 =	simm.s32 $0xF;
	s14 =	simm.s32 $0x8400;
	s23 =	sor.u32 @!p0 $0x1C10, s2  }
0x1d: {  	s6 =	simm.s32 $0x6;
	s2 =	simm.s32 $0x0;
	[dreg:$0xf] =	wrdreg s23  }
.LBB2_4:
0x1e: {  	_ =	swait.ge [sflag:s11], $0x80  }
0x1f: {  	[sflag:s11] =	ssyncset.done $0x0  }
0x20: {  	s31 =	simm.s32 $0x300;
	s2 =	simm.s32 $0x7;
	[sflag:s11] =	ssyncadd.s32 $0xFFFFFF80  }
0x21: {  	[spmem:s3] =	stream.indirect.scatter.add.f32 [tilespmem:s14], [sflag:$0x9], $0x80, s31, s20, $0xb8;
	[tilespmem:$0x1FD00] =	vst v63  }
0x22: {  	_ =	swait.ge [sflag:s2], $0x4000  }
0x23: {  	[sflag:s2] =	ssyncset.done $0x0  }
0x24: {  	[sflag:s2] =	ssyncadd.s32 $0xFFFFC000  }
0x25: {  	_ =	swait.ge [sflag:s17], $0x4000  }
0x26: {  	[sflag:s17] =	ssyncset.done $0x0  }
0x27: {  	s18 =	simm.s32 $0x9;
	[sflag:s17] =	ssyncadd.s32 $0xFFFFC000  }
0x28: {  	_ =	swait.ge [sflag:s18], $0x4000  }
0x29: {  	[sflag:s18] =	ssyncset.done $0x0  }
0x2a: {  	[sflag:s18] =	ssyncadd.s32 $0xFFFFC000  }
0x2b: {  	[bflag:$0x0] =	sbarrier.arrive $0xFFFF  }
0x2c: {  	s19 =	rddreg [dreg:$0x8]  }
0x2d: {  	s18 =	simm.s32 @p0 $0x1FD0;
	s21 =	rddreg [dreg:$0xe]  }
0x2e: {  	[hbm:s19], [sflag:s18] =	dma.local @p0 [spmem:s21], $0x1900  }
0x2f: {  	s18 =	simm.s32 @p0 $0x10  }
0x30: {  	_ =	swait.ge @p0 [sflag:s18], $0x1900  }
0x31: {  	[sflag:s18] =	ssyncset.done @p0 $0x0;
	s23 =	rddreg [dreg:$0xf]  }
0x32: {  	s30 =	rddreg [dreg:$0x10];
	[sflag:s18] =	ssyncadd.s32 @p0 $0xFFFFE700;
	s18 =	simm.s32 @!p0 $0x10  }
0x33: {  	[hbm:s19], [sflag:s23] =	dma.local @!p0 [spmem:s30], $0x2800  }
0x34: {  	_ =	swait.ge @!p0 [sflag:s18], $0x2800  }
0x35: {  	s19 =	rddreg [dreg:$0x11]  }
0x36: {  	s2 =	sadd.s32 $0x1, s19;
	s19 =	rddreg [dreg:$0xa]  }
0x37: {  	p1 =	sne.s32 s2, s19  }
.Ltmp1:
0x38: {  	_ = 	snop;
	(pc) =	sbr.rel @!p1 .LBB2_5-.Ltmp1, $3  }
0x39: {  	_ =	sdelay $0x1  }
0x3a: {  	[sflag:s18] =	ssyncset.done @!p0 $0x0  }
0x3b: {  	[sflag:s18] =	ssyncadd.s32 @!p0 $0xFFFFD800  }
.LBB2_1:
0x3c: {  	[dreg:$0x11] =	wrdreg s2  }
0x3d: {  	s18 =	simm.s32 @p0 $0x1FD0;
	s19 =	rddreg [dreg:$0x4]  }
0x3e: {  	[spmem:s21], [sflag:s18] =	dma.local @p0 [hbm:s19], $0x1A00  }
0x3f: {  	s18 =	simm.s32 @p0 $0x10  }
0x40: {  	_ =	swait.ge @p0 [sflag:s18], $0x1A00  }
0x41: {  	[sflag:s18] =	ssyncset.done @p0 $0x0  }
0x42: {  	[sflag:s18] =	ssyncadd.s32 @p0 $0xFFFFE600;
	s18 =	simm.s32 @!p0 $0x10  }
0x43: {  	[spmem:s30], [sflag:s23] =	dma.local @!p0 [hbm:s19], $0x2800  }
0x44: {  	_ =	swait.ge @!p0 [sflag:s18], $0x2800  }
0x45: {  	[sflag:s18] =	ssyncset.done @!p0 $0x0  }
0x46: {  	s23 =	rddreg [dreg:$0x9];
	[sflag:s18] =	ssyncadd.s32 @!p0 $0xFFFFD800  }
0x47: {  	[tilespmem:s4], [sflag:$0xD] =	stream.linear.gather [hbm4b:s23+s4], $0x80, $0x38;
	[tilespmem:$0x1FD00] =	vst v63  }
0x48: {  	s30 =	rddreg [dreg:$0x5]  }
0x49: {  	[tilespmem:s10], [sflag:$0xA] =	stream.linear.gather [hbm4b:s30+s4], $0x80, $0x38;
	[tilespmem:$0x1FD00] =	vst v63  }
0x4a: {  	s2 =	rddreg [dreg:$0xb]  }
0x4b: {  	[tilespmem:s20], [sflag:$0xE] =	stream.linear.gather [hbm4b:s2+s4], $0x80, $0x38;
	[tilespmem:$0x1FD00] =	vst v63  }
0x4c: {  	s21 =	simm.s32 $0x280;
	s19 =	rddreg [dreg:$0x6]  }
0x4d: {  	[tilespmem:s21], [sflag:$0xB] =	stream.linear.gather [hbm4b:s19+s4], $0x80, $0x38;
	[tilespmem:$0x1FD00] =	vst v63  }
0x4e: {  	s23 =	rddreg [dreg:$0xc]  }
0x4f: {  	[tilespmem:s22], [sflag:$0xF] =	stream.linear.gather [hbm4b:s23+s4], $0x80, $0x38;
	[tilespmem:$0x1FD00] =	vst v63  }
0x50: {  	s30 =	rddreg [dreg:$0x7];
	s19 =	simm.s32 $0xD  }
0x51: {  	[tilespmem:s31], [sflag:$0xC] =	stream.linear.gather [hbm4b:s30+s4], $0x80, $0x38;
	[tilespmem:$0x1FD00] =	vst v63  }
0x52: {  	_ =	swait.ge [sflag:s19], $0x80  }
0x53: {  	[sflag:s19] =	ssyncset.done $0x0  }
0x54: {  	[sflag:s19] =	ssyncadd.s32 $0xFFFFFF80  }
0x55: {  	[tilespmem:s26], [sflag:$0x1] =	stream.indirect.gather [hbm4b:s1+s25], $0x80, s4, s25, $0xb8;
	[tilespmem:$0x1FD00] =	vst v63  }
0x56: {  	s21 =	simm.s32 $0x2400  }
0x57: {  	[tilespmem:s21], [sflag:$0x4] =	stream.indirect.gather [hbm4b:s1+s25], $0x80, s25, s25, $0xb8;
	[tilespmem:$0x1FD00] =	vst v63  }
0x58: {  	_ =	swait.ge [sflag:s29], $0x80  }
0x59: {  	[sflag:s29] =	ssyncset.done $0x0  }
0x5a: {  	s23 =	simm.s32 $0x4400;
	[sflag:s29] =	ssyncadd.s32 $0xFFFFFF80  }
0x5b: {  	[tilespmem:s23], [sflag:$0x2] =	stream.indirect.gather [hbm4b:s1+s25], $0x80, s20, s25, $0xb8;
	[tilespmem:$0x1FD00] =	vst v63  }
0x5c: {  	s30 =	simm.s32 $0xC0;
	s31 =	simm.s32 $0x6400  }
0x5d: {  	[tilespmem:s31], [sflag:$0x5] =	stream.indirect.gather [hbm4b:s1+s25], $0x80, s30, s25, $0xb8;
	[tilespmem:$0x1FD00] =	vst v63  }
0x5e: {  	[bflag:$0x0] =	sbarrier.arrive $0xFFFF  }
0x5f: {  	s2 =	simm.s32 $0x300;
	s19 =	simm.s32 $0x200;
	s18 =	rddreg [dreg:$0xd]  }
.LBB2_2:
0x60: {  	_ =	swait.ge [sflag:s0], $0x2000  }
0x61: {  	[sflag:s0] =	ssyncset.done $0x0  }
0x62: {  	[sflag:s0] =	ssyncadd.s32 $0xFFFFE000  }
0x63: {  	_ =	swait.ge [sflag:s28], $0x2000  }
0x64: {  	p1 =	seq.s32 s19, $0x2900;
	[sflag:s28] =	ssyncset.done $0x0  }
0x65: {  	s30 =	sadd.s32 @!p1 $0xFFFFFFE0, s18;
	s21 =	simm.s32 @!p1 $0x0;
	[sflag:s28] =	ssyncadd.s32 $0xFFFFE000  }
0x66: {  	[tilespmem:s21], [sflag:$0xD] =	stream.linear.gather @!p1 [hbm4b:s30+s21], $0x80, $0x38;
	[tilespmem:$0x1FD00] =	vst v63  }
0x67: {  	p2 =	seq.s32 s19, $0x200;
	_ =	swait.ge [sflag:s9], $0x80  }
0x68: {  	s30 =	sadd.s32 @!p2 $0xFFFFFF00, s19;
	[sflag:s9] =	ssyncset.done $0x0  }
0x69: {  	s23 =	simm.s32 @!p2 $0x9;
	s31 =	sand.u32 @!p2 $0x7C00, s30;
	[sflag:s9] =	ssyncadd.s32 $0xFFFFFF80  }
0x6a: {  	[spmem:s3] =	stream.indirect.scatter.add.f32 [tilespmem:s26], [sflag:$0x7], $0x80, s10, s20, $0xb8;
	[tilespmem:$0x1FD00] =	vst v63  }
0x6b: {  	s30 =	sand.u32 @!p2 $0x380, s30;
	s31 =	sadd.s32 @!p2 s7, s31;
	_ =	swait.ge @!p2 [sflag:s23], $0x4000  }
0x6c: {  	s30 =	sor.u32 @!p2 s30, s31;
	[sflag:s23] =	ssyncset.done @!p2 $0x0  }
0x6d: {  	[sflag:s23] =	ssyncadd.s32 @!p2 $0xFFFFC000;
	s23 =	sshrl.u32 @!p2 s30, $0x3  }
0x6e: {  	s31 =	simm.s32 @!p2 $0x300;
	s30 =	simm.s32 @!p2 $0x0;
	s23 =	sadd.s32 @!p2 s5, s23  }
0x6f: {  	[tilespmem:s31], [sflag:$0xC] =	stream.linear.gather @!p2 [hbm4b:s23+s30], $0x80, $0x38;
	[tilespmem:$0x1FD00] =	vst v63  }
0x70: {  	_ =	swait.ge [sflag:s13], $0x80  }
0x71: {  	[sflag:s13] =	ssyncset.done $0x0  }
0x72: {  	[sflag:s13] =	ssyncadd.s32 $0xFFFFFF80  }
0x73: {  	[tilespmem:s14], [sflag:$0x3] =	stream.indirect.gather [hbm4b:s1+s25], $0x80, s22, s25, $0xb8;
	[tilespmem:$0x1FD00] =	vst v63  }
0x74: {  	_ = 	snop  }
0x75: {  	[tilespmem:s8], [sflag:$0x6] =	stream.indirect.gather [hbm4b:s1+s25], $0x80, s15, s25, $0xb8;
	[tilespmem:$0x1FD00] =	vst v63  }
0x76: {  	_ =	swait.ge [sflag:s16], $0x2000  }
0x77: {  	[sflag:s16] =	ssyncset.done $0x0  }
0x78: {  	[sflag:s16] =	ssyncadd.s32 $0xFFFFE000  }
0x79: {  	_ =	swait.ge [sflag:s12], $0x2000  }
0x7a: {  	[sflag:s12] =	ssyncset.done $0x0  }
0x7b: {  	s23 =	simm.s32 @p1 $0xB;
	[sflag:s12] =	ssyncadd.s32 $0xFFFFE000  }
0x7c: {  	_ =	swait.ge @p1 [sflag:s23], $0x80  }
0x7d: {  	s30 =	simm.s32 @p1 $0x280;
	[sflag:s23] =	ssyncset.done @p1 $0x0  }
0x7e: {  	s31 =	simm.s32 @p1 $0x4400;
	[sflag:s23] =	ssyncadd.s32 @p1 $0xFFFFFF80;
	s23 =	simm.s32 @p1 $0x80  }
0x7f: {  	[spmem:s3] =	stream.indirect.scatter.add.f32 @p1 [tilespmem:s31], [sflag:$0x8], $0x80, s30, s23, $0xb8;
	[tilespmem:$0x1FD00] =	vst v63  }
0x80: {  	s23 =	sadd.s32 @!p1 $0xFFFFFFF0, s18;
	s30 =	simm.s32 @!p1 $0x80  }
0x81: {  	[tilespmem:s30], [sflag:$0xE] =	stream.linear.gather @!p1 [hbm4b:s23+s21], $0x80, $0x38;
	[tilespmem:$0x1FD00] =	vst v63  }
0x82: {  	s23 =	simm.s32 @!p1 $0xB  }
0x83: {  	_ =	swait.ge @!p1 [sflag:s23], $0x80  }
0x84: {  	[sflag:s23] =	ssyncset.done @!p1 $0x0  }
0x85: {  	s31 =	simm.s32 @!p1 $0x4400;
	[sflag:s23] =	ssyncadd.s32 @!p1 $0xFFFFFF80;
	s23 =	simm.s32 @!p1 $0x280  }
0x86: {  	[spmem:s3] =	stream.indirect.scatter.add.f32 @!p1 [tilespmem:s31], [sflag:$0x8], $0x80, s23, s30, $0xb8;
	[tilespmem:$0x1FD00] =	vst v63  }
0x87: {  	s23 =	sadd.s32 @!p1 $0xFFFFFF80, s19  }
0x88: {  	s30 =	sand.u32 @!p1 $0x7C00, s23  }
0x89: {  	s31 =	simm.s32 @!p1 $0x7;
	s23 =	sand.u32 @!p1 $0x380, s23;
	s30 =	sadd.s32 @!p1 s7, s30  }
0x8a: {  	_ =	swait.ge @!p1 [sflag:s31], $0x4000;
	s23 =	sor.u32 @!p1 s23, s30  }
0x8b: {  	[sflag:s31] =	ssyncset.done @!p1 $0x0;
	s23 =	sshrl.u32 @!p1 s23, $0x3  }
0x8c: {  	[sflag:s31] =	ssyncadd.s32 @!p1 $0xFFFFC000;
	s30 =	simm.s32 @!p1 $0x200;
	s23 =	sadd.s32 @!p1 s5, s23  }
0x8d: {  	[tilespmem:s30], [sflag:$0xA] =	stream.linear.gather @!p1 [hbm4b:s23+s21], $0x80, $0x38;
	[tilespmem:$0x1FD00] =	vst v63  }
0x8e: {  	s23 =	simm.s32 @!p1 $0xD  }
0x8f: {  	_ =	swait.ge @!p1 [sflag:s23], $0x80  }
0x90: {  	[sflag:s23] =	ssyncset.done @!p1 $0x0  }
0x91: {  	s30 =	simm.s32 @!p1 $0x400;
	[sflag:s23] =	ssyncadd.s32 @!p1 $0xFFFFFF80;
	s23 =	simm.s32 @!p1 $0x40  }
0x92: {  	[tilespmem:s30], [sflag:$0x1] =	stream.indirect.gather @!p1 [hbm4b:s1+s23], $0x80, s21, s23, $0xb8;
	[tilespmem:$0x1FD00] =	vst v63  }
0x93: {  	s21 =	simm.s32 @!p1 $0x2400  }
0x94: {  	[tilespmem:s21], [sflag:$0x4] =	stream.indirect.gather @!p1 [hbm4b:s1+s23], $0x80, s23, s23, $0xb8;
	[tilespmem:$0x1FD00] =	vst v63  }
0x95: {  	_ =	swait.ge [sflag:s24], $0x2000  }
.Ltmp2:
0x96: {  	[sflag:s24] =	ssyncset.done $0x0;
	(pc) =	sbr.rel @p1 .LBB2_4-.Ltmp2, $4  }
0x97: {  	[sflag:s24] =	ssyncadd.s32 $0xFFFFE000  }
0x98: {  	_ =	swait.ge [sflag:s6], $0x2000  }
0x99: {  	[sflag:s6] =	ssyncset.done $0x0  }
0x9a: {  	[sflag:s6] =	ssyncadd.s32 $0xFFFFE000  }
0x9b: {  	[tilespmem:s22], [sflag:$0xF] =	stream.linear.gather [hbm4b:s18+s4], $0x80, $0x38;
	[tilespmem:$0x1FD00] =	vst v63  }
0x9c: {  	_ =	swait.ge [sflag:s11], $0x80  }
0x9d: {  	s21 =	sand.u32 $0x7C00, s19;
	[sflag:s11] =	ssyncset.done $0x0  }
0x9e: {  	s23 =	sand.u32 $0x380, s19;
	s21 =	sadd.s32 s7, s21;
	[sflag:s11] =	ssyncadd.s32 $0xFFFFFF80  }
0x9f: {  	[spmem:s3] =	stream.indirect.scatter.add.f32 [tilespmem:s14], [sflag:$0x9], $0x80, s2, s20, $0xb8;
	[tilespmem:$0x1FD00] =	vst v63  }
0xa0: {  	s21 =	sor.u32 s23, s21;
	_ =	swait.ge [sflag:s17], $0x4000  }
0xa1: {  	s21 =	sshrl.u32 s21, $0x3;
	[sflag:s17] =	ssyncset.done $0x0  }
0xa2: {  	s31 =	simm.s32 $0x280;
	s21 =	sadd.s32 s5, s21;
	[sflag:s17] =	ssyncadd.s32 $0xFFFFC000  }
0xa3: {  	[tilespmem:s31], [sflag:$0xB] =	stream.linear.gather [hbm4b:s21+s4], $0x80, $0x38;
	[tilespmem:$0x1FD00] =	vst v63  }
0xa4: {  	_ =	swait.ge [sflag:s29], $0x80  }
.Ltmp3:
0xa5: {  	[sflag:s29] =	ssyncset.done $0x0;
	(pc) =	sbr.rel .LBB2_2-.Ltmp3, $4  }
0xa6: {  	s30 =	simm.s32 $0xC0;
	s23 =	simm.s32 $0x4400;
	[sflag:s29] =	ssyncadd.s32 $0xFFFFFF80  }
0xa7: {  	[tilespmem:s23], [sflag:$0x2] =	stream.indirect.gather [hbm4b:s1+s25], $0x80, s20, s25, $0xb8;
	[tilespmem:$0x1FD00] =	vst v63  }
0xa8: {  	s18 =	sadd.s32 $0x30, s18;
	s19 =	sadd.s32 $0x180, s19;
	s31 =	simm.s32 $0x6400  }
0xa9: {  	[tilespmem:s31], [sflag:$0x5] =	stream.indirect.gather [hbm4b:s1+s25], $0x80, s30, s25, $0xb8;
	[tilespmem:$0x1FD00] =	vst v63  }
.LBB2_5:
0xaa: {  	_ =	sfence.sel $0x180000  }
0xab: {  	[bflag:$0x0] =	sbarrier.arrive $0xFFFF  }
0xac: {  	_ =	strace $0x90000047  }
0xad: {  	s0 =	stileid.u32;
	[bflag:$0x2] =	sbarrier.arrive $0xFFFF  }
0xae: {  	p0 =	sne.s32 s0, $0x0;
	s0 =	rddreg [dreg:$0x3]  }
0xaf: {  	s0 =	sadd.s32 @!p0 $0x100000, s0  }
0xb0: {  	[sflag:s0] =	ssyncadd.tile.s32 @!p0 $0x1;
	_ =	shalt  }
.Lfunc_end2:
_tile_overlayer_lowered:
.L_overlay_start_2:
0xb1: {  	(tag) =	ssettag $0x2  }
0xb2: {  	s0 =	rddreg [dreg:$0x0];
	s2 =	stileid.u32  }
0xb3: {  	s1 =	rddreg [dreg:$0x1];
	p0 =	sne.s32 s2, $0x0  }
0xb4: {  	s3 =	rddreg [dreg:$0x2];
	[bflag:$0x3] =	sbarrier.arrive $0xFFFF;
	s2 =	simm.s32 @!p0 $0x1C10  }
0xb5: {  	[timem:s3], [sflag:s2] =	dma.local @!p0 [hbm:s0], s1  }
0xb6: {  	s0 =	simm.s32 @!p0 $0x10  }
0xb7: {  	_ =	swait.ge @!p0 [sflag:s0], s1  }
0xb8: {  	s1 =	ssub.s32 @!p0 $0x0, s1;
	[sflag:s0] =	ssyncset.done @!p0 $0x0  }
0xb9: {  	[sflag:s0] =	ssyncadd.s32 @!p0 s1  }
0xba: {  	[bflag:$0x3] =	sbarrier.arrive $0xFFFF  }
0xbb: {  	_ =	shalt  }

</sc_bundles>
